<compile_context>
chip_gen: v7x
topology: tpu7x:2x2x1
jax: 0.10.2.dev20260603
libtpu: 0.0.44.dev20260713+nightly
codegen_flags: <defaults>
</compile_context>

<pallas_src>
import functools

import numpy as np
import jax
import jax.numpy as jnp
from jax import lax
from jax.experimental import pallas as pl
from jax.experimental.pallas import tpu as pltpu
from jax.experimental.pallas import tpu_sc as plsc

FIELD_CONSTANT = 1.602176634e-19 / 8.8541878128e-12 * 1e10
DENSITY_WIDTH = 1.0
PROJ_WIDTHS = np.array([0.5, 1.0, 1.5, 2.0], dtype=np.float32)
TOTAL_WIDTHS = np.sqrt((DENSITY_WIDTH ** 2 + PROJ_WIDTHS ** 2) / 2.0).astype(np.float32)
_L0 = np.ones(4, dtype=np.float32)
_SCALE = np.float32(FIELD_CONSTANT / (4.0 * np.pi))
_SELF_K = (_SCALE / (np.sqrt(np.pi) * TOTAL_WIDTHS) * _L0).astype(np.float32)

_CK = (0.5 / TOTAL_WIDTHS).astype(np.float32)
_CK2 = (_CK * _CK).astype(np.float32)

_P = np.float32(0.47047)
_A1 = np.float32(0.3480242)
_A2 = np.float32(-0.0958798)
_A3 = np.float32(0.7478556)
_MAGIC = np.int32(0x5F3759DF)

NC, NS, L = 2, 16, 16
NW = NC * NS
M_NODES = 10000
PER = -(-M_NODES // (NW * L)) * L
M_PAD = NW * PER
MX = M_PAD + L


def _lane_pattern4(a, b, c, d, iota):
    return jnp.where(iota < 4, a, jnp.where(iota < 8, b, jnp.where(iota < 12, c, d)))


def _sc_body(p4_hbm, s_hbm, e_hbm,
             feats_hbm, self_hbm,
             p4_v, s_v, e_v, feats_v, self_v):
    cid = lax.axis_index("c")
    sid = lax.axis_index("s")
    wid = sid * NC + cid
    base = wid * PER

    pltpu.sync_copy(p4_hbm, p4_v)
    pltpu.sync_copy(s_hbm.at[pl.ds(base, PER + L)], s_v)
    pltpu.sync_copy(e_hbm.at[pl.ds(base, PER + L)], e_v)

    iota = lax.broadcasted_iota(jnp.int32, (L,), 0)
    fzero = jnp.zeros((L,), jnp.float32)
    fone = jnp.ones((L,), jnp.float32)
    kmod = iota & 3
    ckv = jnp.where(kmod == 0, _CK[0],
                    jnp.where(kmod == 1, _CK[1],
                              jnp.where(kmod == 2, _CK[2], _CK[3])))
    ck2v = ckv * ckv
    selfkv = jnp.where(kmod == 0, _SELF_K[0],
                       jnp.where(kmod == 1, _SELF_K[1],
                                 jnp.where(kmod == 2, _SELF_K[2], _SELF_K[3])))

    def node_group(g, carry):
        i0 = g * 8
        gi0 = base + i0
        sl = s_v[pl.ds(i0, L)]
        el = e_v[pl.ds(i0, L)]
        pva = p4_v[pl.ds(4 * gi0, L)]
        pvb = p4_v[pl.ds(4 * gi0 + L, L)]
        svecA = _lane_pattern4(sl[0], sl[1], sl[2], sl[3], iota)
        evecA = _lane_pattern4(el[0], el[1], el[2], el[3], iota)
        svecB = _lane_pattern4(sl[4], sl[5], sl[6], sl[7], iota)
        evecB = _lane_pattern4(el[4], el[5], el[6], el[7], iota)
        ivecA = _lane_pattern4(gi0, gi0 + 1, gi0 + 2, gi0 + 3, iota)
        ivecB = ivecA + 4
        xivA = _lane_pattern4(pva[0], pva[4], pva[8], pva[12], iota)
        yivA = _lane_pattern4(pva[1], pva[5], pva[9], pva[13], iota)
        zivA = _lane_pattern4(pva[2], pva[6], pva[10], pva[14], iota)
        qivA = _lane_pattern4(pva[3], pva[7], pva[11], pva[15], iota)
        xivB = _lane_pattern4(pvb[0], pvb[4], pvb[8], pvb[12], iota)
        yivB = _lane_pattern4(pvb[1], pvb[5], pvb[9], pvb[13], iota)
        zivB = _lane_pattern4(pvb[2], pvb[6], pvb[10], pvb[14], iota)
        qivB = _lane_pattern4(pvb[3], pvb[7], pvb[11], pvb[15], iota)

        jlo = sl[0]
        jhi = el[7]
        j0 = (jlo // 4) * 4

        def pair(nv, c, jn, svec, evec, ivec, xiv, yiv, ziv, qiv,
                 bx, by, bz, bq):
            m = (jn >= svec) & (jn < evec) & (jn != ivec)
            dx = bx - xiv
            dy = by - yiv
            dz = bz - ziv
            d2 = dx * dx + dy * dy + dz * dz
            d2m = jnp.where(m, d2, fone)
            bits = lax.bitcast_convert_type(d2m, jnp.int32)
            bits = _MAGIC - lax.shift_right_logical(bits, 1)
            yq = lax.bitcast_convert_type(bits, jnp.float32)
            yq = yq * (np.float32(1.5) - np.float32(0.5) * d2m * yq * yq)
            d = d2m * yq
            w = jnp.where(m, bq, fzero) * yq
            xk = ckv * d
            tk = np.float32(1.0) / (np.float32(1.0) + _P * xk)
            poly = ((_A3 * tk + _A2) * tk + _A1) * tk
            erfk = np.float32(1.0) - poly * jnp.exp(-ck2v * d2m)
            return w * erfk

        @plsc.parallel_loop(j0, jhi, step=4, carry=(fzero, fzero))
        def accs(j, acc_in):
            nv = p4_v[pl.ds(4 * j, L)]
            ca = []
            cb = []
            for u in range(4):
                c = 4 * u
                jn = j + u
                bx, by, bz, bq = nv[c], nv[c + 1], nv[c + 2], nv[c + 3]
                ca.append(pair(nv, c, jn, svecA, evecA, ivecA,
                               xivA, yivA, zivA, qivA, bx, by, bz, bq))
                cb.append(pair(nv, c, jn, svecB, evecB, ivecB,
                               xivB, yivB, zivB, qivB, bx, by, bz, bq))
            while len(ca) > 1:
                ca = [a + b for a, b in zip(ca[::2], ca[1::2])]
                cb = [a + b for a, b in zip(cb[::2], cb[1::2])]
            return acc_in[0] + ca[0], acc_in[1] + cb[0]

        feats_v[pl.ds(g * (2 * L), L)] = accs[0] * _SCALE
        feats_v[pl.ds(g * (2 * L) + L, L)] = accs[1] * _SCALE
        self_v[pl.ds(g * (2 * L), L)] = qivA * selfkv
        self_v[pl.ds(g * (2 * L) + L, L)] = qivB * selfkv

    @plsc.parallel_loop(0, PER // 8)
    def _groups(g):
        node_group(g, None)

    pltpu.sync_copy(feats_v, feats_hbm.at[pl.ds(base * 4, PER * 4)])
    pltpu.sync_copy(self_v, self_hbm.at[pl.ds(base * 4, PER * 4)])


@jax.jit
def _sc_call(p4, s, e):
    mesh = plsc.VectorSubcoreMesh(core_axis_name="c", subcore_axis_name="s")
    f = functools.partial(
        pl.kernel,
        out_type=[
            jax.ShapeDtypeStruct((M_PAD * 4,), jnp.float32),
            jax.ShapeDtypeStruct((M_PAD * 4,), jnp.float32),
        ],
        mesh=mesh,
        scratch_types=[
            pltpu.VMEM((MX * 4,), jnp.float32),
            pltpu.VMEM((PER + L,), jnp.int32),
            pltpu.VMEM((PER + L,), jnp.int32),
            pltpu.VMEM((PER * 4,), jnp.float32),
            pltpu.VMEM((PER * 4,), jnp.float32),
        ],
    )(_sc_body)
    return f(p4, s, e)


def kernel(source_feats, node_positions, batch):
    M = node_positions.shape[0]
    sf2d = jnp.squeeze(source_feats, axis=-2)
    q = sf2d[:, 0]
    n_ids = 100
    pad = MX - M
    ids = jnp.arange(n_ids, dtype=batch.dtype)
    bp = jnp.pad(batch, (0, pad), constant_values=-1)
    oneh = (bp[:, None] == ids[None, :]).astype(jnp.float32)
    cnt = jnp.sum(oneh, axis=0)
    tri = jnp.tril(jnp.ones((n_ids, n_ids), jnp.float32), k=-1)
    offs = jnp.sum(tri * cnt[None, :], axis=1)
    sp = jnp.sum(oneh * offs[None, :], axis=1).astype(jnp.int32)
    ep = jnp.sum(oneh * (offs + cnt)[None, :], axis=1).astype(jnp.int32)
    p4 = jnp.pad(jnp.concatenate([node_positions, q[:, None]], axis=1),
                 ((0, pad), (0, 0))).reshape(-1)
    feats_flat, self_flat = _sc_call(p4, sp, ep)
    feats = feats_flat.reshape(M_PAD, 4)[:M]
    self_terms = self_flat.reshape(M_PAD, 4)[:M]
    return (feats, self_terms)

# --- scband reference (transcript-rebuilt; emitter-appended) ---
"""Pipeline reference for scband-real-space-finite-difference-electrostatic-features-6373731467887 (READ-ONLY COPY).

The authoritative reference and input builder live on the scoring server;
editing this copy changes nothing except your own understanding.
"""

import jax, jax.numpy as jnp
import numpy as np
from jax.scipy.special import erf

# e / epsilon_0 in (eV * Angstrom * 4*pi) units; FIELD_CONSTANT/(4*pi) = 14.3996 eV*A
FIELD_CONSTANT = 1.602176634e-19 / 8.8541878128e-12 * 1e10

DENSITY_WIDTH = 1.0
PROJ_WIDTHS = np.array([0.5, 1.0, 1.5, 2.0], dtype=np.float32)
NUM_RADIAL = PROJ_WIDTHS.shape[0]
TOTAL_WIDTHS = np.sqrt((DENSITY_WIDTH ** 2 + PROJ_WIDTHS ** 2) / 2.0).astype(np.float32)


def get_Cl_sigma(l, sigma, normalize='multipoles'):
    # normalization constant of a solid-harmonic GTO; only ratios are used downstream
    return 1.0 / ((2.0 * np.pi) ** 1.5 * sigma ** (3 + 2 * l))


L0_FACTORS = np.array([
    get_Cl_sigma(0, s, 'receiver') / get_Cl_sigma(0, s, 'multipoles') for s in PROJ_WIDTHS
], dtype=np.float32)


def build_edges(batch_np):
    # batch_complete_graph_excluding_self_duplicates_vector with N=1:
    # dense directed complete graph within each graph id, no self loops
    edges = []
    for g in np.unique(batch_np):
        nodes = np.nonzero(batch_np == g)[0]
        D = nodes.size
        if D <= 1:
            continue
        row = np.repeat(nodes, D)
        col = np.tile(nodes, D)
        keep = row != col
        edges.append(np.stack([row[keep], col[keep]], axis=0))
    if not edges:
        return np.zeros((2, 0), dtype=np.int32)
    return np.concatenate(edges, axis=1).astype(np.int32)


def setup_inputs(seed: int = 0) -> dict:
    key = jax.random.key(seed)
    k1, k2, k3 = jax.random.split(key, 3)
    M = 10000
    source_feats = jax.random.normal(k1, (M, 1, 1), dtype=jnp.float32)
    node_positions = jax.random.normal(k2, (M, 3), dtype=jnp.float32) * 3.0
    batch = jnp.sort(jax.random.randint(k3, (M,), 0, 100))
    return {"source_feats": source_feats, "node_positions": node_positions, "batch": batch}


def charges_features_from_graph(charges, positions, edge_index, num_nodes):
    sender = edge_index[0]
    receiver = edge_index[1]
    R_ij = positions[sender] - positions[receiver]
    d_ij = jnp.linalg.norm(R_ij, axis=-1, keepdims=True)
    smooth_reciprocal = erf(0.5 * d_ij / jnp.asarray(TOTAL_WIDTHS)[None, :]) / (d_ij + 1e-06)
    features = jax.ops.segment_sum(charges[sender][:, None] * smooth_reciprocal, receiver,
                                   num_segments=num_nodes)
    return FIELD_CONSTANT * features / (4.0 * np.pi)


def charges_features_dense(charges, positions, batch):
    num_nodes = positions.shape[0]
    widths = jnp.asarray(TOTAL_WIDTHS)
    node_ids = jnp.arange(num_nodes)
    chunk = next(c for c in (100, 50, 25, 20, 10, 8, 5, 4, 2, 1) if num_nodes % c == 0)
    recv = node_ids.reshape(num_nodes // chunk, chunk)

    def one_chunk(r):
        R_ij = positions[None, :, :] - positions[r][:, None, :]
        d_ij = jnp.linalg.norm(R_ij, axis=-1, keepdims=True)
        smooth_reciprocal = erf(0.5 * d_ij / widths[None, None, :]) / (d_ij + 1e-06)
        mask = (batch[r][:, None] == batch[None, :]) & (r[:, None] != node_ids[None, :])
        contrib = jnp.where(mask[:, :, None], charges[None, :, None] * smooth_reciprocal, 0.0)
        return jnp.sum(contrib, axis=1)

    features = jax.lax.map(one_chunk, recv).reshape(num_nodes, widths.shape[0])
    return FIELD_CONSTANT * features / (4.0 * np.pi)


def gto_self_interaction(sf2d):
    # analytic on-site projection: lim_{d->0} erf(0.5 d / sigma)/d = 1/(sqrt(pi)*sigma)
    k0 = FIELD_CONSTANT / (4.0 * np.pi) / (np.sqrt(np.pi) * TOTAL_WIDTHS) * L0_FACTORS
    return sf2d[:, 0:1] * jnp.asarray(k0)[None, :]


def reference(source_feats, node_positions, batch):
    sf2d = jnp.squeeze(source_feats, axis=-2)  # [M, 1]
    charges = sf2d[:, 0]
    feats = charges_features_dense(charges, node_positions, batch)
    feats = jnp.asarray(L0_FACTORS) * feats
    self_terms = gto_self_interaction(sf2d)
    # include_self_interaction=False, so self terms are returned separately
    return (feats, self_terms)

if __name__ == "__main__":
    import jax
    _d = setup_inputs()
    print(jax.jit(kernel)(*tuple(_d.values())))

</pallas_src>

<mosaic_0001>
#map = affine_map<(d0, d1) -> (0)>
module attributes {stable_mosaic.version = 14 : i64} {
  func.func @_sc_body(%arg0: i32, %arg1: i32, %arg2: memref<41024xf32, #tpu.memory_space<hbm>>, %arg3: memref<10256xi32, #tpu.memory_space<hbm>>, %arg4: memref<10256xi32, #tpu.memory_space<hbm>>, %arg5: memref<40960xf32, #tpu.memory_space<hbm>>, %arg6: memref<40960xf32, #tpu.memory_space<hbm>>, %arg7: memref<41024xf32, #tpu.memory_space<vmem>>, %arg8: memref<336xi32, #tpu.memory_space<vmem>>, %arg9: memref<336xi32, #tpu.memory_space<vmem>>, %arg10: memref<1280xf32, #tpu.memory_space<vmem>>, %arg11: memref<1280xf32, #tpu.memory_space<vmem>>) attributes {dimension_semantics = [#tpu.dimension_semantics<core_parallel>, #tpu.dimension_semantics<subcore_parallel>], iteration_bounds = array<i64: 2, 16>, scalar_prefetch = 0 : i64, scratch_operands = 5 : i64, tpu.core_type = #tpu.core_type<sc_vector_subcore>, window_params = [{transform_indices = #map}, {transform_indices = #map}, {transform_indices = #map}, {transform_indices = #map}, {transform_indices = #map}]} {
    %mul3A = arith.constant 2 : i32
    %mul3A_0 = arith.muli %arg1, %mul3A : i32
    %add3A = arith.addi %mul3A_0, %arg0 : i32
    %mul3A_1 = arith.constant 320 : i32
    %mul3A_2 = arith.muli %add3A, %mul3A_1 : i32
    "tpu.region"() ({
      %run_scoped3A = tpu.sem_alloc : memref<!tpu.dma_semaphore, #tpu.memory_space<semaphore_mem>>
      tpu.enqueue_dma source(%arg2 : memref<41024xf32, #tpu.memory_space<hbm>>) target(%arg7 : memref<41024xf32, #tpu.memory_space<vmem>>) target_semaphore(%run_scoped3A : memref<!tpu.dma_semaphore, #tpu.memory_space<semaphore_mem>>)
      tpu.wait_dma2 semaphore(%run_scoped3A : memref<!tpu.dma_semaphore, #tpu.memory_space<semaphore_mem>>) src(%arg2 : memref<41024xf32, #tpu.memory_space<hbm>>) dst(%arg7 : memref<41024xf32, #tpu.memory_space<vmem>>)
      tpu.yield
    }) : () -> ()
    "tpu.region"() ({
      %run_scoped3A = tpu.sem_alloc : memref<!tpu.dma_semaphore, #tpu.memory_space<semaphore_mem>>
      %dma_start3A = tpu.memref_slice %arg3[%mul3A_2] : memref<10256xi32, #tpu.memory_space<hbm>> -> memref<336xi32, #tpu.memory_space<hbm>>
      %dma_start3A_52 = tpu.memref_slice %arg3[%mul3A_2] : memref<10256xi32, #tpu.memory_space<hbm>> -> memref<336xi32, #tpu.memory_space<hbm>>
      tpu.enqueue_dma source(%dma_start3A_52 : memref<336xi32, #tpu.memory_space<hbm>>) target(%arg8 : memref<336xi32, #tpu.memory_space<vmem>>) target_semaphore(%run_scoped3A : memref<!tpu.dma_semaphore, #tpu.memory_space<semaphore_mem>>)
      %dma_wait3A = tpu.memref_slice %arg3[%mul3A_2] : memref<10256xi32, #tpu.memory_space<hbm>> -> memref<336xi32, #tpu.memory_space<hbm>>
      %dma_wait3A_53 = tpu.memref_slice %arg3[%mul3A_2] : memref<10256xi32, #tpu.memory_space<hbm>> -> memref<336xi32, #tpu.memory_space<hbm>>
      tpu.wait_dma2 semaphore(%run_scoped3A : memref<!tpu.dma_semaphore, #tpu.memory_space<semaphore_mem>>) src(%dma_wait3A_53 : memref<336xi32, #tpu.memory_space<hbm>>) dst(%arg8 : memref<336xi32, #tpu.memory_space<vmem>>)
      tpu.yield
    }) : () -> ()
    "tpu.region"() ({
      %run_scoped3A = tpu.sem_alloc : memref<!tpu.dma_semaphore, #tpu.memory_space<semaphore_mem>>
      %dma_start3A = tpu.memref_slice %arg4[%mul3A_2] : memref<10256xi32, #tpu.memory_space<hbm>> -> memref<336xi32, #tpu.memory_space<hbm>>
      %dma_start3A_52 = tpu.memref_slice %arg4[%mul3A_2] : memref<10256xi32, #tpu.memory_space<hbm>> -> memref<336xi32, #tpu.memory_space<hbm>>
      tpu.enqueue_dma source(%dma_start3A_52 : memref<336xi32, #tpu.memory_space<hbm>>) target(%arg9 : memref<336xi32, #tpu.memory_space<vmem>>) target_semaphore(%run_scoped3A : memref<!tpu.dma_semaphore, #tpu.memory_space<semaphore_mem>>)
      %dma_wait3A = tpu.memref_slice %arg4[%mul3A_2] : memref<10256xi32, #tpu.memory_space<hbm>> -> memref<336xi32, #tpu.memory_space<hbm>>
      %dma_wait3A_53 = tpu.memref_slice %arg4[%mul3A_2] : memref<10256xi32, #tpu.memory_space<hbm>> -> memref<336xi32, #tpu.memory_space<hbm>>
      tpu.wait_dma2 semaphore(%run_scoped3A : memref<!tpu.dma_semaphore, #tpu.memory_space<semaphore_mem>>) src(%dma_wait3A_53 : memref<336xi32, #tpu.memory_space<hbm>>) dst(%arg9 : memref<336xi32, #tpu.memory_space<vmem>>)
      tpu.yield
    }) : () -> ()
    %iota3A = tpu.iota {dimensions = array<i32: 0>} : vector<16xi32>
    %broadcast_in_dim3A = arith.constant 0.000000e+00 : f32
    %broadcast_in_dim3A_3 = vector.broadcast %broadcast_in_dim3A : f32 to vector<16xf32>
    %broadcast_in_dim3A_4 = arith.constant 1.000000e+00 : f32
    %broadcast_in_dim3A_5 = vector.broadcast %broadcast_in_dim3A_4 : f32 to vector<16xf32>
    %and3A = arith.constant 3 : i32
    %and3A_6 = vector.broadcast %and3A : i32 to vector<16xi32>
    %and3A_7 = arith.andi %iota3A, %and3A_6 : vector<16xi32>
    %eq3A = arith.constant 0 : i32
    %eq3A_8 = vector.broadcast %eq3A : i32 to vector<16xi32>
    %eq3A_9 = arith.cmpi eq, %and3A_7, %eq3A_8 : vector<16xi32>
    %eq3A_10 = arith.constant 1 : i32
    %eq3A_11 = vector.broadcast %eq3A_10 : i32 to vector<16xi32>
    %eq3A_12 = arith.cmpi eq, %and3A_7, %eq3A_11 : vector<16xi32>
    %eq3A_13 = arith.constant 2 : i32
    %eq3A_14 = vector.broadcast %eq3A_13 : i32 to vector<16xi32>
    %eq3A_15 = arith.cmpi eq, %and3A_7, %eq3A_14 : vector<16xi32>
    %jit3A = arith.constant 0.392232269 : f32
    %jit3A_16 = arith.constant 0.316227764 : f32
    %broadcast_in_dim3A_17 = vector.broadcast %jit3A : f32 to vector<16xf32>
    %broadcast_in_dim3A_18 = vector.broadcast %jit3A_16 : f32 to vector<16xf32>
    %select_n3A = arith.select %eq3A_15, %broadcast_in_dim3A_17, %broadcast_in_dim3A_18 : vector<16xi1>, vector<16xf32>
    %jit3A_19 = arith.constant 5.000000e-01 : f32
    %broadcast_in_dim3A_20 = vector.broadcast %jit3A_19 : f32 to vector<16xf32>
    %select_n3A_21 = arith.select %eq3A_12, %broadcast_in_dim3A_20, %select_n3A : vector<16xi1>, vector<16xf32>
    %jit3A_22 = arith.constant 0.632455527 : f32
    %broadcast_in_dim3A_23 = vector.broadcast %jit3A_22 : f32 to vector<16xf32>
    %select_n3A_24 = arith.select %eq3A_9, %broadcast_in_dim3A_23, %select_n3A_21 : vector<16xi1>, vector<16xf32>
    %mul3A_25 = arith.mulf %select_n3A_24, %select_n3A_24 : vector<16xf32>
    %eq3A_26 = arith.constant 0 : i32
    %eq3A_27 = vector.broadcast %eq3A_26 : i32 to vector<16xi32>
    %eq3A_28 = arith.cmpi eq, %and3A_7, %eq3A_27 : vector<16xi32>
    %eq3A_29 = arith.constant 1 : i32
    %eq3A_30 = vector.broadcast %eq3A_29 : i32 to vector<16xi32>
    %eq3A_31 = arith.cmpi eq, %and3A_7, %eq3A_30 : vector<16xi32>
    %eq3A_32 = arith.constant 2 : i32
    %eq3A_33 = vector.broadcast %eq3A_32 : i32 to vector<16xi32>
    %eq3A_34 = arith.cmpi eq, %and3A_7, %eq3A_33 : vector<16xi32>
    %jit3A_35 = arith.constant 6.37309217 : f32
    %jit3A_36 = arith.constant 5.13815117 : f32
    %broadcast_in_dim3A_37 = vector.broadcast %jit3A_35 : f32 to vector<16xf32>
    %broadcast_in_dim3A_38 = vector.broadcast %jit3A_36 : f32 to vector<16xf32>
    %select_n3A_39 = arith.select %eq3A_34, %broadcast_in_dim3A_37, %broadcast_in_dim3A_38 : vector<16xi1>, vector<16xf32>
    %jit3A_40 = arith.constant 8.124130e+00 : f32
    %broadcast_in_dim3A_41 = vector.broadcast %jit3A_40 : f32 to vector<16xf32>
    %select_n3A_42 = arith.select %eq3A_31, %broadcast_in_dim3A_41, %select_n3A_39 : vector<16xi1>, vector<16xf32>
    %jit3A_43 = arith.constant 10.2763023 : f32
    %broadcast_in_dim3A_44 = vector.broadcast %jit3A_43 : f32 to vector<16xf32>
    %select_n3A_45 = arith.select %eq3A_28, %broadcast_in_dim3A_44, %select_n3A_42 : vector<16xi1>, vector<16xf32>
    %parallel_loop3A = arith.constant 0 : i32
    %parallel_loop3A_46 = arith.constant 40 : i32
    %parallel_loop3A_47 = arith.constant 1 : i32
    scf.for %parallel_loop3A_52 = %parallel_loop3A to %parallel_loop3A_46 step %parallel_loop3A_47  : i32 {
      %parallel_loop3A_53 = arith.constant 8 : i32
      %parallel_loop3A_54 = arith.muli %parallel_loop3A_52, %parallel_loop3A_53 : i32
      %parallel_loop3A_55 = arith.addi %mul3A_2, %parallel_loop3A_54 : i32
      %parallel_loop3A_56 = arith.index_cast %parallel_loop3A_54 : i32 to index
      %parallel_loop3A_57 = tpu.vector_load %arg8[%parallel_loop3A_56] {strides = array<i32>} : memref<336xi32, #tpu.memory_space<vmem>>, vector<16xi32>,
      %parallel_loop3A_58 = vector.shape_cast %parallel_loop3A_57 : vector<16xi32> to vector<16xi32>
      %parallel_loop3A_59 = arith.index_cast %parallel_loop3A_54 : i32 to index
      %parallel_loop3A_60 = tpu.vector_load %arg9[%parallel_loop3A_59] {strides = array<i32>} : memref<336xi32, #tpu.memory_space<vmem>>, vector<16xi32>,
      %parallel_loop3A_61 = vector.shape_cast %parallel_loop3A_60 : vector<16xi32> to vector<16xi32>
      %parallel_loop3A_62 = arith.constant 4 : i32
      %parallel_loop3A_63 = arith.muli %parallel_loop3A_62, %parallel_loop3A_55 : i32
      %parallel_loop3A_64 = arith.index_cast %parallel_loop3A_63 : i32 to index
      %parallel_loop3A_65 = tpu.vector_load %arg7[%parallel_loop3A_64] {strides = array<i32>} : memref<41024xf32, #tpu.memory_space<vmem>>, vector<16xf32>,
      %parallel_loop3A_66 = vector.shape_cast %parallel_loop3A_65 : vector<16xf32> to vector<16xf32>
      %parallel_loop3A_67 = arith.constant 4 : i32
      %parallel_loop3A_68 = arith.muli %parallel_loop3A_67, %parallel_loop3A_55 : i32
      %parallel_loop3A_69 = arith.constant 16 : i32
      %parallel_loop3A_70 = arith.addi %parallel_loop3A_68, %parallel_loop3A_69 : i32
      %parallel_loop3A_71 = arith.index_cast %parallel_loop3A_70 : i32 to index
      %parallel_loop3A_72 = tpu.vector_load %arg7[%parallel_loop3A_71] {strides = array<i32>} : memref<41024xf32, #tpu.memory_space<vmem>>, vector<16xf32>,
      %parallel_loop3A_73 = vector.shape_cast %parallel_loop3A_72 : vector<16xf32> to vector<16xf32>
      %parallel_loop3A_74 = vector.extract_strided_slice %parallel_loop3A_58 {offsets = [0], sizes = [1], strides = [1]} : vector<16xi32> to vector<1xi32>
      %parallel_loop3A_75 = vector.extract %parallel_loop3A_74[0] : i32 from vector<1xi32>
      %parallel_loop3A_76 = vector.extract_strided_slice %parallel_loop3A_58 {offsets = [1], sizes = [1], strides = [1]} : vector<16xi32> to vector<1xi32>
      %parallel_loop3A_77 = vector.extract %parallel_loop3A_76[0] : i32 from vector<1xi32>
      %parallel_loop3A_78 = vector.extract_strided_slice %parallel_loop3A_58 {offsets = [2], sizes = [1], strides = [1]} : vector<16xi32> to vector<1xi32>
      %parallel_loop3A_79 = vector.extract %parallel_loop3A_78[0] : i32 from vector<1xi32>
      %parallel_loop3A_80 = vector.extract_strided_slice %parallel_loop3A_58 {offsets = [3], sizes = [1], strides = [1]} : vector<16xi32> to vector<1xi32>
      %parallel_loop3A_81 = vector.extract %parallel_loop3A_80[0] : i32 from vector<1xi32>
      %parallel_loop3A_82 = arith.constant 4 : i32
      %parallel_loop3A_83 = vector.broadcast %parallel_loop3A_82 : i32 to vector<16xi32>
      %parallel_loop3A_84 = arith.cmpi slt, %iota3A, %parallel_loop3A_83 : vector<16xi32>
      %parallel_loop3A_85 = arith.constant 8 : i32
      %parallel_loop3A_86 = vector.broadcast %parallel_loop3A_85 : i32 to vector<16xi32>
      %parallel_loop3A_87 = arith.cmpi slt, %iota3A, %parallel_loop3A_86 : vector<16xi32>
      %parallel_loop3A_88 = arith.constant 12 : i32
      %parallel_loop3A_89 = vector.broadcast %parallel_loop3A_88 : i32 to vector<16xi32>
      %parallel_loop3A_90 = arith.cmpi slt, %iota3A, %parallel_loop3A_89 : vector<16xi32>
      %parallel_loop3A_91 = vector.broadcast %parallel_loop3A_79 : i32 to vector<16xi32>
      %parallel_loop3A_92 = vector.broadcast %parallel_loop3A_81 : i32 to vector<16xi32>
      %parallel_loop3A_93 = arith.select %parallel_loop3A_90, %parallel_loop3A_91, %parallel_loop3A_92 : vector<16xi1>, vector<16xi32>
      %parallel_loop3A_94 = vector.broadcast %parallel_loop3A_77 : i32 to vector<16xi32>
      %parallel_loop3A_95 = arith.select %parallel_loop3A_87, %parallel_loop3A_94, %parallel_loop3A_93 : vector<16xi1>, vector<16xi32>
      %parallel_loop3A_96 = vector.broadcast %parallel_loop3A_75 : i32 to vector<16xi32>
      %parallel_loop3A_97 = arith.select %parallel_loop3A_84, %parallel_loop3A_96, %parallel_loop3A_95 : vector<16xi1>, vector<16xi32>
      %parallel_loop3A_98 = vector.extract_strided_slice %parallel_loop3A_61 {offsets = [0], sizes = [1], strides = [1]} : vector<16xi32> to vector<1xi32>
      %parallel_loop3A_99 = vector.extract %parallel_loop3A_98[0] : i32 from vector<1xi32>
      %parallel_loop3A_100 = vector.extract_strided_slice %parallel_loop3A_61 {offsets = [1], sizes = [1], strides = [1]} : vector<16xi32> to vector<1xi32>
      %parallel_loop3A_101 = vector.extract %parallel_loop3A_100[0] : i32 from vector<1xi32>
      %parallel_loop3A_102 = vector.extract_strided_slice %parallel_loop3A_61 {offsets = [2], sizes = [1], strides = [1]} : vector<16xi32> to vector<1xi32>
      %parallel_loop3A_103 = vector.extract %parallel_loop3A_102[0] : i32 from vector<1xi32>
      %parallel_loop3A_104 = vector.extract_strided_slice %parallel_loop3A_61 {offsets = [3], sizes = [1], strides = [1]} : vector<16xi32> to vector<1xi32>
      %parallel_loop3A_105 = vector.extract %parallel_loop3A_104[0] : i32 from vector<1xi32>
      %parallel_loop3A_106 = arith.constant 4 : i32
      %parallel_loop3A_107 = vector.broadcast %parallel_loop3A_106 : i32 to vector<16xi32>
      %parallel_loop3A_108 = arith.cmpi slt, %iota3A, %parallel_loop3A_107 : vector<16xi32>
      %parallel_loop3A_109 = arith.constant 8 : i32
      %parallel_loop3A_110 = vector.broadcast %parallel_loop3A_109 : i32 to vector<16xi32>
      %parallel_loop3A_111 = arith.cmpi slt, %iota3A, %parallel_loop3A_110 : vector<16xi32>
      %parallel_loop3A_112 = arith.constant 12 : i32
      %parallel_loop3A_113 = vector.broadcast %parallel_loop3A_112 : i32 to vector<16xi32>
      %parallel_loop3A_114 = arith.cmpi slt, %iota3A, %parallel_loop3A_113 : vector<16xi32>
      %parallel_loop3A_115 = vector.broadcast %parallel_loop3A_103 : i32 to vector<16xi32>
      %parallel_loop3A_116 = vector.broadcast %parallel_loop3A_105 : i32 to vector<16xi32>
      %parallel_loop3A_117 = arith.select %parallel_loop3A_114, %parallel_loop3A_115, %parallel_loop3A_116 : vector<16xi1>, vector<16xi32>
      %parallel_loop3A_118 = vector.broadcast %parallel_loop3A_101 : i32 to vector<16xi32>
      %parallel_loop3A_119 = arith.select %parallel_loop3A_111, %parallel_loop3A_118, %parallel_loop3A_117 : vector<16xi1>, vector<16xi32>
      %parallel_loop3A_120 = vector.broadcast %parallel_loop3A_99 : i32 to vector<16xi32>
      %parallel_loop3A_121 = arith.select %parallel_loop3A_108, %parallel_loop3A_120, %parallel_loop3A_119 : vector<16xi1>, vector<16xi32>
      %parallel_loop3A_122 = vector.extract_strided_slice %parallel_loop3A_58 {offsets = [4], sizes = [1], strides = [1]} : vector<16xi32> to vector<1xi32>
      %parallel_loop3A_123 = vector.extract %parallel_loop3A_122[0] : i32 from vector<1xi32>
      %parallel_loop3A_124 = vector.extract_strided_slice %parallel_loop3A_58 {offsets = [5], sizes = [1], strides = [1]} : vector<16xi32> to vector<1xi32>
      %parallel_loop3A_125 = vector.extract %parallel_loop3A_124[0] : i32 from vector<1xi32>
      %parallel_loop3A_126 = vector.extract_strided_slice %parallel_loop3A_58 {offsets = [6], sizes = [1], strides = [1]} : vector<16xi32> to vector<1xi32>
      %parallel_loop3A_127 = vector.extract %parallel_loop3A_126[0] : i32 from vector<1xi32>
      %parallel_loop3A_128 = vector.extract_strided_slice %parallel_loop3A_58 {offsets = [7], sizes = [1], strides = [1]} : vector<16xi32> to vector<1xi32>
      %parallel_loop3A_129 = vector.extract %parallel_loop3A_128[0] : i32 from vector<1xi32>
      %parallel_loop3A_130 = arith.constant 4 : i32
      %parallel_loop3A_131 = vector.broadcast %parallel_loop3A_130 : i32 to vector<16xi32>
      %parallel_loop3A_132 = arith.cmpi slt, %iota3A, %parallel_loop3A_131 : vector<16xi32>
      %parallel_loop3A_133 = arith.constant 8 : i32
      %parallel_loop3A_134 = vector.broadcast %parallel_loop3A_133 : i32 to vector<16xi32>
      %parallel_loop3A_135 = arith.cmpi slt, %iota3A, %parallel_loop3A_134 : vector<16xi32>
      %parallel_loop3A_136 = arith.constant 12 : i32
      %parallel_loop3A_137 = vector.broadcast %parallel_loop3A_136 : i32 to vector<16xi32>
      %parallel_loop3A_138 = arith.cmpi slt, %iota3A, %parallel_loop3A_137 : vector<16xi32>
      %parallel_loop3A_139 = vector.broadcast %parallel_loop3A_127 : i32 to vector<16xi32>
      %parallel_loop3A_140 = vector.broadcast %parallel_loop3A_129 : i32 to vector<16xi32>
      %parallel_loop3A_141 = arith.select %parallel_loop3A_138, %parallel_loop3A_139, %parallel_loop3A_140 : vector<16xi1>, vector<16xi32>
      %parallel_loop3A_142 = vector.broadcast %parallel_loop3A_125 : i32 to vector<16xi32>
      %parallel_loop3A_143 = arith.select %parallel_loop3A_135, %parallel_loop3A_142, %parallel_loop3A_141 : vector<16xi1>, vector<16xi32>
      %parallel_loop3A_144 = vector.broadcast %parallel_loop3A_123 : i32 to vector<16xi32>
      %parallel_loop3A_145 = arith.select %parallel_loop3A_132, %parallel_loop3A_144, %parallel_loop3A_143 : vector<16xi1>, vector<16xi32>
      %parallel_loop3A_146 = vector.extract_strided_slice %parallel_loop3A_61 {offsets = [4], sizes = [1], strides = [1]} : vector<16xi32> to vector<1xi32>
      %parallel_loop3A_147 = vector.extract %parallel_loop3A_146[0] : i32 from vector<1xi32>
      %parallel_loop3A_148 = vector.extract_strided_slice %parallel_loop3A_61 {offsets = [5], sizes = [1], strides = [1]} : vector<16xi32> to vector<1xi32>
      %parallel_loop3A_149 = vector.extract %parallel_loop3A_148[0] : i32 from vector<1xi32>
      %parallel_loop3A_150 = vector.extract_strided_slice %parallel_loop3A_61 {offsets = [6], sizes = [1], strides = [1]} : vector<16xi32> to vector<1xi32>
      %parallel_loop3A_151 = vector.extract %parallel_loop3A_150[0] : i32 from vector<1xi32>
      %parallel_loop3A_152 = vector.extract_strided_slice %parallel_loop3A_61 {offsets = [7], sizes = [1], strides = [1]} : vector<16xi32> to vector<1xi32>
      %parallel_loop3A_153 = vector.extract %parallel_loop3A_152[0] : i32 from vector<1xi32>
      %parallel_loop3A_154 = arith.constant 4 : i32
      %parallel_loop3A_155 = vector.broadcast %parallel_loop3A_154 : i32 to vector<16xi32>
      %parallel_loop3A_156 = arith.cmpi slt, %iota3A, %parallel_loop3A_155 : vector<16xi32>
      %parallel_loop3A_157 = arith.constant 8 : i32
      %parallel_loop3A_158 = vector.broadcast %parallel_loop3A_157 : i32 to vector<16xi32>
      %parallel_loop3A_159 = arith.cmpi slt, %iota3A, %parallel_loop3A_158 : vector<16xi32>
      %parallel_loop3A_160 = arith.constant 12 : i32
      %parallel_loop3A_161 = vector.broadcast %parallel_loop3A_160 : i32 to vector<16xi32>
      %parallel_loop3A_162 = arith.cmpi slt, %iota3A, %parallel_loop3A_161 : vector<16xi32>
      %parallel_loop3A_163 = vector.broadcast %parallel_loop3A_151 : i32 to vector<16xi32>
      %parallel_loop3A_164 = vector.broadcast %parallel_loop3A_153 : i32 to vector<16xi32>
      %parallel_loop3A_165 = arith.select %parallel_loop3A_162, %parallel_loop3A_163, %parallel_loop3A_164 : vector<16xi1>, vector<16xi32>
      %parallel_loop3A_166 = vector.broadcast %parallel_loop3A_149 : i32 to vector<16xi32>
      %parallel_loop3A_167 = arith.select %parallel_loop3A_159, %parallel_loop3A_166, %parallel_loop3A_165 : vector<16xi1>, vector<16xi32>
      %parallel_loop3A_168 = vector.broadcast %parallel_loop3A_147 : i32 to vector<16xi32>
      %parallel_loop3A_169 = arith.select %parallel_loop3A_156, %parallel_loop3A_168, %parallel_loop3A_167 : vector<16xi1>, vector<16xi32>
      %parallel_loop3A_170 = arith.constant 1 : i32
      %parallel_loop3A_171 = arith.addi %parallel_loop3A_55, %parallel_loop3A_170 : i32
      %parallel_loop3A_172 = arith.constant 2 : i32
      %parallel_loop3A_173 = arith.addi %parallel_loop3A_55, %parallel_loop3A_172 : i32
      %parallel_loop3A_174 = arith.constant 3 : i32
      %parallel_loop3A_175 = arith.addi %parallel_loop3A_55, %parallel_loop3A_174 : i32
      %parallel_loop3A_176 = arith.constant 4 : i32
      %parallel_loop3A_177 = vector.broadcast %parallel_loop3A_176 : i32 to vector<16xi32>
      %parallel_loop3A_178 = arith.cmpi slt, %iota3A, %parallel_loop3A_177 : vector<16xi32>
      %parallel_loop3A_179 = arith.constant 8 : i32
      %parallel_loop3A_180 = vector.broadcast %parallel_loop3A_179 : i32 to vector<16xi32>
      %parallel_loop3A_181 = arith.cmpi slt, %iota3A, %parallel_loop3A_180 : vector<16xi32>
      %parallel_loop3A_182 = arith.constant 12 : i32
      %parallel_loop3A_183 = vector.broadcast %parallel_loop3A_182 : i32 to vector<16xi32>
      %parallel_loop3A_184 = arith.cmpi slt, %iota3A, %parallel_loop3A_183 : vector<16xi32>
      %parallel_loop3A_185 = vector.broadcast %parallel_loop3A_173 : i32 to vector<16xi32>
      %parallel_loop3A_186 = vector.broadcast %parallel_loop3A_175 : i32 to vector<16xi32>
      %parallel_loop3A_187 = arith.select %parallel_loop3A_184, %parallel_loop3A_185, %parallel_loop3A_186 : vector<16xi1>, vector<16xi32>
      %parallel_loop3A_188 = vector.broadcast %parallel_loop3A_171 : i32 to vector<16xi32>
      %parallel_loop3A_189 = arith.select %parallel_loop3A_181, %parallel_loop3A_188, %parallel_loop3A_187 : vector<16xi1>, vector<16xi32>
      %parallel_loop3A_190 = vector.broadcast %parallel_loop3A_55 : i32 to vector<16xi32>
      %parallel_loop3A_191 = arith.select %parallel_loop3A_178, %parallel_loop3A_190, %parallel_loop3A_189 : vector<16xi1>, vector<16xi32>
      %parallel_loop3A_192 = arith.constant 4 : i32
      %parallel_loop3A_193 = vector.broadcast %parallel_loop3A_192 : i32 to vector<16xi32>
      %parallel_loop3A_194 = arith.addi %parallel_loop3A_191, %parallel_loop3A_193 : vector<16xi32>
      %parallel_loop3A_195 = vector.extract_strided_slice %parallel_loop3A_66 {offsets = [0], sizes = [1], strides = [1]} : vector<16xf32> to vector<1xf32>
      %parallel_loop3A_196 = vector.extract %parallel_loop3A_195[0] : f32 from vector<1xf32>
      %parallel_loop3A_197 = vector.extract_strided_slice %parallel_loop3A_66 {offsets = [4], sizes = [1], strides = [1]} : vector<16xf32> to vector<1xf32>
      %parallel_loop3A_198 = vector.extract %parallel_loop3A_197[0] : f32 from vector<1xf32>
      %parallel_loop3A_199 = vector.extract_strided_slice %parallel_loop3A_66 {offsets = [8], sizes = [1], strides = [1]} : vector<16xf32> to vector<1xf32>
      %parallel_loop3A_200 = vector.extract %parallel_loop3A_199[0] : f32 from vector<1xf32>
      %parallel_loop3A_201 = vector.extract_strided_slice %parallel_loop3A_66 {offsets = [12], sizes = [1], strides = [1]} : vector<16xf32> to vector<1xf32>
      %parallel_loop3A_202 = vector.extract %parallel_loop3A_201[0] : f32 from vector<1xf32>
      %parallel_loop3A_203 = arith.constant 4 : i32
      %parallel_loop3A_204 = vector.broadcast %parallel_loop3A_203 : i32 to vector<16xi32>
      %parallel_loop3A_205 = arith.cmpi slt, %iota3A, %parallel_loop3A_204 : vector<16xi32>
      %parallel_loop3A_206 = arith.constant 8 : i32
      %parallel_loop3A_207 = vector.broadcast %parallel_loop3A_206 : i32 to vector<16xi32>
      %parallel_loop3A_208 = arith.cmpi slt, %iota3A, %parallel_loop3A_207 : vector<16xi32>
      %parallel_loop3A_209 = arith.constant 12 : i32
      %parallel_loop3A_210 = vector.broadcast %parallel_loop3A_209 : i32 to vector<16xi32>
      %parallel_loop3A_211 = arith.cmpi slt, %iota3A, %parallel_loop3A_210 : vector<16xi32>
      %parallel_loop3A_212 = vector.broadcast %parallel_loop3A_200 : f32 to vector<16xf32>
      %parallel_loop3A_213 = vector.broadcast %parallel_loop3A_202 : f32 to vector<16xf32>
      %parallel_loop3A_214 = arith.select %parallel_loop3A_211, %parallel_loop3A_212, %parallel_loop3A_213 : vector<16xi1>, vector<16xf32>
      %parallel_loop3A_215 = vector.broadcast %parallel_loop3A_198 : f32 to vector<16xf32>
      %parallel_loop3A_216 = arith.select %parallel_loop3A_208, %parallel_loop3A_215, %parallel_loop3A_214 : vector<16xi1>, vector<16xf32>
      %parallel_loop3A_217 = vector.broadcast %parallel_loop3A_196 : f32 to vector<16xf32>
      %parallel_loop3A_218 = arith.select %parallel_loop3A_205, %parallel_loop3A_217, %parallel_loop3A_216 : vector<16xi1>, vector<16xf32>
      %parallel_loop3A_219 = vector.extract_strided_slice %parallel_loop3A_66 {offsets = [1], sizes = [1], strides = [1]} : vector<16xf32> to vector<1xf32>
      %parallel_loop3A_220 = vector.extract %parallel_loop3A_219[0] : f32 from vector<1xf32>
      %parallel_loop3A_221 = vector.extract_strided_slice %parallel_loop3A_66 {offsets = [5], sizes = [1], strides = [1]} : vector<16xf32> to vector<1xf32>
      %parallel_loop3A_222 = vector.extract %parallel_loop3A_221[0] : f32 from vector<1xf32>
      %parallel_loop3A_223 = vector.extract_strided_slice %parallel_loop3A_66 {offsets = [9], sizes = [1], strides = [1]} : vector<16xf32> to vector<1xf32>
      %parallel_loop3A_224 = vector.extract %parallel_loop3A_223[0] : f32 from vector<1xf32>
      %parallel_loop3A_225 = vector.extract_strided_slice %parallel_loop3A_66 {offsets = [13], sizes = [1], strides = [1]} : vector<16xf32> to vector<1xf32>
      %parallel_loop3A_226 = vector.extract %parallel_loop3A_225[0] : f32 from vector<1xf32>
      %parallel_loop3A_227 = arith.constant 4 : i32
      %parallel_loop3A_228 = vector.broadcast %parallel_loop3A_227 : i32 to vector<16xi32>
      %parallel_loop3A_229 = arith.cmpi slt, %iota3A, %parallel_loop3A_228 : vector<16xi32>
      %parallel_loop3A_230 = arith.constant 8 : i32
      %parallel_loop3A_231 = vector.broadcast %parallel_loop3A_230 : i32 to vector<16xi32>
      %parallel_loop3A_232 = arith.cmpi slt, %iota3A, %parallel_loop3A_231 : vector<16xi32>
      %parallel_loop3A_233 = arith.constant 12 : i32
      %parallel_loop3A_234 = vector.broadcast %parallel_loop3A_233 : i32 to vector<16xi32>
      %parallel_loop3A_235 = arith.cmpi slt, %iota3A, %parallel_loop3A_234 : vector<16xi32>
      %parallel_loop3A_236 = vector.broadcast %parallel_loop3A_224 : f32 to vector<16xf32>
      %parallel_loop3A_237 = vector.broadcast %parallel_loop3A_226 : f32 to vector<16xf32>
      %parallel_loop3A_238 = arith.select %parallel_loop3A_235, %parallel_loop3A_236, %parallel_loop3A_237 : vector<16xi1>, vector<16xf32>
      %parallel_loop3A_239 = vector.broadcast %parallel_loop3A_222 : f32 to vector<16xf32>
      %parallel_loop3A_240 = arith.select %parallel_loop3A_232, %parallel_loop3A_239, %parallel_loop3A_238 : vector<16xi1>, vector<16xf32>
      %parallel_loop3A_241 = vector.broadcast %parallel_loop3A_220 : f32 to vector<16xf32>
      %parallel_loop3A_242 = arith.select %parallel_loop3A_229, %parallel_loop3A_241, %parallel_loop3A_240 : vector<16xi1>, vector<16xf32>
      %parallel_loop3A_243 = vector.extract_strided_slice %parallel_loop3A_66 {offsets = [2], sizes = [1], strides = [1]} : vector<16xf32> to vector<1xf32>
      %parallel_loop3A_244 = vector.extract %parallel_loop3A_243[0] : f32 from vector<1xf32>
      %parallel_loop3A_245 = vector.extract_strided_slice %parallel_loop3A_66 {offsets = [6], sizes = [1], strides = [1]} : vector<16xf32> to vector<1xf32>
      %parallel_loop3A_246 = vector.extract %parallel_loop3A_245[0] : f32 from vector<1xf32>
      %parallel_loop3A_247 = vector.extract_strided_slice %parallel_loop3A_66 {offsets = [10], sizes = [1], strides = [1]} : vector<16xf32> to vector<1xf32>
      %parallel_loop3A_248 = vector.extract %parallel_loop3A_247[0] : f32 from vector<1xf32>
      %parallel_loop3A_249 = vector.extract_strided_slice %parallel_loop3A_66 {offsets = [14], sizes = [1], strides = [1]} : vector<16xf32> to vector<1xf32>
      %parallel_loop3A_250 = vector.extract %parallel_loop3A_249[0] : f32 from vector<1xf32>
      %parallel_loop3A_251 = arith.constant 4 : i32
      %parallel_loop3A_252 = vector.broadcast %parallel_loop3A_251 : i32 to vector<16xi32>
      %parallel_loop3A_253 = arith.cmpi slt, %iota3A, %parallel_loop3A_252 : vector<16xi32>
      %parallel_loop3A_254 = arith.constant 8 : i32
      %parallel_loop3A_255 = vector.broadcast %parallel_loop3A_254 : i32 to vector<16xi32>
      %parallel_loop3A_256 = arith.cmpi slt, %iota3A, %parallel_loop3A_255 : vector<16xi32>
      %parallel_loop3A_257 = arith.constant 12 : i32
      %parallel_loop3A_258 = vector.broadcast %parallel_loop3A_257 : i32 to vector<16xi32>
      %parallel_loop3A_259 = arith.cmpi slt, %iota3A, %parallel_loop3A_258 : vector<16xi32>
      %parallel_loop3A_260 = vector.broadcast %parallel_loop3A_248 : f32 to vector<16xf32>
      %parallel_loop3A_261 = vector.broadcast %parallel_loop3A_250 : f32 to vector<16xf32>
      %parallel_loop3A_262 = arith.select %parallel_loop3A_259, %parallel_loop3A_260, %parallel_loop3A_261 : vector<16xi1>, vector<16xf32>
      %parallel_loop3A_263 = vector.broadcast %parallel_loop3A_246 : f32 to vector<16xf32>
      %parallel_loop3A_264 = arith.select %parallel_loop3A_256, %parallel_loop3A_263, %parallel_loop3A_262 : vector<16xi1>, vector<16xf32>
      %parallel_loop3A_265 = vector.broadcast %parallel_loop3A_244 : f32 to vector<16xf32>
      %parallel_loop3A_266 = arith.select %parallel_loop3A_253, %parallel_loop3A_265, %parallel_loop3A_264 : vector<16xi1>, vector<16xf32>
      %parallel_loop3A_267 = vector.extract_strided_slice %parallel_loop3A_66 {offsets = [3], sizes = [1], strides = [1]} : vector<16xf32> to vector<1xf32>
      %parallel_loop3A_268 = vector.extract %parallel_loop3A_267[0] : f32 from vector<1xf32>
      %parallel_loop3A_269 = vector.extract_strided_slice %parallel_loop3A_66 {offsets = [7], sizes = [1], strides = [1]} : vector<16xf32> to vector<1xf32>
      %parallel_loop3A_270 = vector.extract %parallel_loop3A_269[0] : f32 from vector<1xf32>
      %parallel_loop3A_271 = vector.extract_strided_slice %parallel_loop3A_66 {offsets = [11], sizes = [1], strides = [1]} : vector<16xf32> to vector<1xf32>
      %parallel_loop3A_272 = vector.extract %parallel_loop3A_271[0] : f32 from vector<1xf32>
      %parallel_loop3A_273 = vector.extract_strided_slice %parallel_loop3A_66 {offsets = [15], sizes = [1], strides = [1]} : vector<16xf32> to vector<1xf32>
      %parallel_loop3A_274 = vector.extract %parallel_loop3A_273[0] : f32 from vector<1xf32>
      %parallel_loop3A_275 = arith.constant 4 : i32
      %parallel_loop3A_276 = vector.broadcast %parallel_loop3A_275 : i32 to vector<16xi32>
      %parallel_loop3A_277 = arith.cmpi slt, %iota3A, %parallel_loop3A_276 : vector<16xi32>
      %parallel_loop3A_278 = arith.constant 8 : i32
      %parallel_loop3A_279 = vector.broadcast %parallel_loop3A_278 : i32 to vector<16xi32>
      %parallel_loop3A_280 = arith.cmpi slt, %iota3A, %parallel_loop3A_279 : vector<16xi32>
      %parallel_loop3A_281 = arith.constant 12 : i32
      %parallel_loop3A_282 = vector.broadcast %parallel_loop3A_281 : i32 to vector<16xi32>
      %parallel_loop3A_283 = arith.cmpi slt, %iota3A, %parallel_loop3A_282 : vector<16xi32>
      %parallel_loop3A_284 = vector.broadcast %parallel_loop3A_272 : f32 to vector<16xf32>
      %parallel_loop3A_285 = vector.broadcast %parallel_loop3A_274 : f32 to vector<16xf32>
      %parallel_loop3A_286 = arith.select %parallel_loop3A_283, %parallel_loop3A_284, %parallel_loop3A_285 : vector<16xi1>, vector<16xf32>
      %parallel_loop3A_287 = vector.broadcast %parallel_loop3A_270 : f32 to vector<16xf32>
      %parallel_loop3A_288 = arith.select %parallel_loop3A_280, %parallel_loop3A_287, %parallel_loop3A_286 : vector<16xi1>, vector<16xf32>
      %parallel_loop3A_289 = vector.broadcast %parallel_loop3A_268 : f32 to vector<16xf32>
      %parallel_loop3A_290 = arith.select %parallel_loop3A_277, %parallel_loop3A_289, %parallel_loop3A_288 : vector<16xi1>, vector<16xf32>
      %parallel_loop3A_291 = vector.extract_strided_slice %parallel_loop3A_73 {offsets = [0], sizes = [1], strides = [1]} : vector<16xf32> to vector<1xf32>
      %parallel_loop3A_292 = vector.extract %parallel_loop3A_291[0] : f32 from vector<1xf32>
      %parallel_loop3A_293 = vector.extract_strided_slice %parallel_loop3A_73 {offsets = [4], sizes = [1], strides = [1]} : vector<16xf32> to vector<1xf32>
      %parallel_loop3A_294 = vector.extract %parallel_loop3A_293[0] : f32 from vector<1xf32>
      %parallel_loop3A_295 = vector.extract_strided_slice %parallel_loop3A_73 {offsets = [8], sizes = [1], strides = [1]} : vector<16xf32> to vector<1xf32>
      %parallel_loop3A_296 = vector.extract %parallel_loop3A_295[0] : f32 from vector<1xf32>
      %parallel_loop3A_297 = vector.extract_strided_slice %parallel_loop3A_73 {offsets = [12], sizes = [1], strides = [1]} : vector<16xf32> to vector<1xf32>
      %parallel_loop3A_298 = vector.extract %parallel_loop3A_297[0] : f32 from vector<1xf32>
      %parallel_loop3A_299 = arith.constant 4 : i32
      %parallel_loop3A_300 = vector.broadcast %parallel_loop3A_299 : i32 to vector<16xi32>
      %parallel_loop3A_301 = arith.cmpi slt, %iota3A, %parallel_loop3A_300 : vector<16xi32>
      %parallel_loop3A_302 = arith.constant 8 : i32
      %parallel_loop3A_303 = vector.broadcast %parallel_loop3A_302 : i32 to vector<16xi32>
      %parallel_loop3A_304 = arith.cmpi slt, %iota3A, %parallel_loop3A_303 : vector<16xi32>
      %parallel_loop3A_305 = arith.constant 12 : i32
      %parallel_loop3A_306 = vector.broadcast %parallel_loop3A_305 : i32 to vector<16xi32>
      %parallel_loop3A_307 = arith.cmpi slt, %iota3A, %parallel_loop3A_306 : vector<16xi32>
      %parallel_loop3A_308 = vector.broadcast %parallel_loop3A_296 : f32 to vector<16xf32>
      %parallel_loop3A_309 = vector.broadcast %parallel_loop3A_298 : f32 to vector<16xf32>
      %parallel_loop3A_310 = arith.select %parallel_loop3A_307, %parallel_loop3A_308, %parallel_loop3A_309 : vector<16xi1>, vector<16xf32>
      %parallel_loop3A_311 = vector.broadcast %parallel_loop3A_294 : f32 to vector<16xf32>
      %parallel_loop3A_312 = arith.select %parallel_loop3A_304, %parallel_loop3A_311, %parallel_loop3A_310 : vector<16xi1>, vector<16xf32>
      %parallel_loop3A_313 = vector.broadcast %parallel_loop3A_292 : f32 to vector<16xf32>
      %parallel_loop3A_314 = arith.select %parallel_loop3A_301, %parallel_loop3A_313, %parallel_loop3A_312 : vector<16xi1>, vector<16xf32>
      %parallel_loop3A_315 = vector.extract_strided_slice %parallel_loop3A_73 {offsets = [1], sizes = [1], strides = [1]} : vector<16xf32> to vector<1xf32>
      %parallel_loop3A_316 = vector.extract %parallel_loop3A_315[0] : f32 from vector<1xf32>
      %parallel_loop3A_317 = vector.extract_strided_slice %parallel_loop3A_73 {offsets = [5], sizes = [1], strides = [1]} : vector<16xf32> to vector<1xf32>
      %parallel_loop3A_318 = vector.extract %parallel_loop3A_317[0] : f32 from vector<1xf32>
      %parallel_loop3A_319 = vector.extract_strided_slice %parallel_loop3A_73 {offsets = [9], sizes = [1], strides = [1]} : vector<16xf32> to vector<1xf32>
      %parallel_loop3A_320 = vector.extract %parallel_loop3A_319[0] : f32 from vector<1xf32>
      %parallel_loop3A_321 = vector.extract_strided_slice %parallel_loop3A_73 {offsets = [13], sizes = [1], strides = [1]} : vector<16xf32> to vector<1xf32>
      %parallel_loop3A_322 = vector.extract %parallel_loop3A_321[0] : f32 from vector<1xf32>
      %parallel_loop3A_323 = arith.constant 4 : i32
      %parallel_loop3A_324 = vector.broadcast %parallel_loop3A_323 : i32 to vector<16xi32>
      %parallel_loop3A_325 = arith.cmpi slt, %iota3A, %parallel_loop3A_324 : vector<16xi32>
      %parallel_loop3A_326 = arith.constant 8 : i32
      %parallel_loop3A_327 = vector.broadcast %parallel_loop3A_326 : i32 to vector<16xi32>
      %parallel_loop3A_328 = arith.cmpi slt, %iota3A, %parallel_loop3A_327 : vector<16xi32>
      %parallel_loop3A_329 = arith.constant 12 : i32
      %parallel_loop3A_330 = vector.broadcast %parallel_loop3A_329 : i32 to vector<16xi32>
      %parallel_loop3A_331 = arith.cmpi slt, %iota3A, %parallel_loop3A_330 : vector<16xi32>
      %parallel_loop3A_332 = vector.broadcast %parallel_loop3A_320 : f32 to vector<16xf32>
      %parallel_loop3A_333 = vector.broadcast %parallel_loop3A_322 : f32 to vector<16xf32>
      %parallel_loop3A_334 = arith.select %parallel_loop3A_331, %parallel_loop3A_332, %parallel_loop3A_333 : vector<16xi1>, vector<16xf32>
      %parallel_loop3A_335 = vector.broadcast %parallel_loop3A_318 : f32 to vector<16xf32>
      %parallel_loop3A_336 = arith.select %parallel_loop3A_328, %parallel_loop3A_335, %parallel_loop3A_334 : vector<16xi1>, vector<16xf32>
      %parallel_loop3A_337 = vector.broadcast %parallel_loop3A_316 : f32 to vector<16xf32>
      %parallel_loop3A_338 = arith.select %parallel_loop3A_325, %parallel_loop3A_337, %parallel_loop3A_336 : vector<16xi1>, vector<16xf32>
      %parallel_loop3A_339 = vector.extract_strided_slice %parallel_loop3A_73 {offsets = [2], sizes = [1], strides = [1]} : vector<16xf32> to vector<1xf32>
      %parallel_loop3A_340 = vector.extract %parallel_loop3A_339[0] : f32 from vector<1xf32>
      %parallel_loop3A_341 = vector.extract_strided_slice %parallel_loop3A_73 {offsets = [6], sizes = [1], strides = [1]} : vector<16xf32> to vector<1xf32>
      %parallel_loop3A_342 = vector.extract %parallel_loop3A_341[0] : f32 from vector<1xf32>
      %parallel_loop3A_343 = vector.extract_strided_slice %parallel_loop3A_73 {offsets = [10], sizes = [1], strides = [1]} : vector<16xf32> to vector<1xf32>
      %parallel_loop3A_344 = vector.extract %parallel_loop3A_343[0] : f32 from vector<1xf32>
      %parallel_loop3A_345 = vector.extract_strided_slice %parallel_loop3A_73 {offsets = [14], sizes = [1], strides = [1]} : vector<16xf32> to vector<1xf32>
      %parallel_loop3A_346 = vector.extract %parallel_loop3A_345[0] : f32 from vector<1xf32>
      %parallel_loop3A_347 = arith.constant 4 : i32
      %parallel_loop3A_348 = vector.broadcast %parallel_loop3A_347 : i32 to vector<16xi32>
      %parallel_loop3A_349 = arith.cmpi slt, %iota3A, %parallel_loop3A_348 : vector<16xi32>
      %parallel_loop3A_350 = arith.constant 8 : i32
      %parallel_loop3A_351 = vector.broadcast %parallel_loop3A_350 : i32 to vector<16xi32>
      %parallel_loop3A_352 = arith.cmpi slt, %iota3A, %parallel_loop3A_351 : vector<16xi32>
      %parallel_loop3A_353 = arith.constant 12 : i32
      %parallel_loop3A_354 = vector.broadcast %parallel_loop3A_353 : i32 to vector<16xi32>
      %parallel_loop3A_355 = arith.cmpi slt, %iota3A, %parallel_loop3A_354 : vector<16xi32>
      %parallel_loop3A_356 = vector.broadcast %parallel_loop3A_344 : f32 to vector<16xf32>
      %parallel_loop3A_357 = vector.broadcast %parallel_loop3A_346 : f32 to vector<16xf32>
      %parallel_loop3A_358 = arith.select %parallel_loop3A_355, %parallel_loop3A_356, %parallel_loop3A_357 : vector<16xi1>, vector<16xf32>
      %parallel_loop3A_359 = vector.broadcast %parallel_loop3A_342 : f32 to vector<16xf32>
      %parallel_loop3A_360 = arith.select %parallel_loop3A_352, %parallel_loop3A_359, %parallel_loop3A_358 : vector<16xi1>, vector<16xf32>
      %parallel_loop3A_361 = vector.broadcast %parallel_loop3A_340 : f32 to vector<16xf32>
      %parallel_loop3A_362 = arith.select %parallel_loop3A_349, %parallel_loop3A_361, %parallel_loop3A_360 : vector<16xi1>, vector<16xf32>
      %parallel_loop3A_363 = vector.extract_strided_slice %parallel_loop3A_73 {offsets = [3], sizes = [1], strides = [1]} : vector<16xf32> to vector<1xf32>
      %parallel_loop3A_364 = vector.extract %parallel_loop3A_363[0] : f32 from vector<1xf32>
      %parallel_loop3A_365 = vector.extract_strided_slice %parallel_loop3A_73 {offsets = [7], sizes = [1], strides = [1]} : vector<16xf32> to vector<1xf32>
      %parallel_loop3A_366 = vector.extract %parallel_loop3A_365[0] : f32 from vector<1xf32>
      %parallel_loop3A_367 = vector.extract_strided_slice %parallel_loop3A_73 {offsets = [11], sizes = [1], strides = [1]} : vector<16xf32> to vector<1xf32>
      %parallel_loop3A_368 = vector.extract %parallel_loop3A_367[0] : f32 from vector<1xf32>
      %parallel_loop3A_369 = vector.extract_strided_slice %parallel_loop3A_73 {offsets = [15], sizes = [1], strides = [1]} : vector<16xf32> to vector<1xf32>
      %parallel_loop3A_370 = vector.extract %parallel_loop3A_369[0] : f32 from vector<1xf32>
      %parallel_loop3A_371 = arith.constant 4 : i32
      %parallel_loop3A_372 = vector.broadcast %parallel_loop3A_371 : i32 to vector<16xi32>
      %parallel_loop3A_373 = arith.cmpi slt, %iota3A, %parallel_loop3A_372 : vector<16xi32>
      %parallel_loop3A_374 = arith.constant 8 : i32
      %parallel_loop3A_375 = vector.broadcast %parallel_loop3A_374 : i32 to vector<16xi32>
      %parallel_loop3A_376 = arith.cmpi slt, %iota3A, %parallel_loop3A_375 : vector<16xi32>
      %parallel_loop3A_377 = arith.constant 12 : i32
      %parallel_loop3A_378 = vector.broadcast %parallel_loop3A_377 : i32 to vector<16xi32>
      %parallel_loop3A_379 = arith.cmpi slt, %iota3A, %parallel_loop3A_378 : vector<16xi32>
      %parallel_loop3A_380 = vector.broadcast %parallel_loop3A_368 : f32 to vector<16xf32>
      %parallel_loop3A_381 = vector.broadcast %parallel_loop3A_370 : f32 to vector<16xf32>
      %parallel_loop3A_382 = arith.select %parallel_loop3A_379, %parallel_loop3A_380, %parallel_loop3A_381 : vector<16xi1>, vector<16xf32>
      %parallel_loop3A_383 = vector.broadcast %parallel_loop3A_366 : f32 to vector<16xf32>
      %parallel_loop3A_384 = arith.select %parallel_loop3A_376, %parallel_loop3A_383, %parallel_loop3A_382 : vector<16xi1>, vector<16xf32>
      %parallel_loop3A_385 = vector.broadcast %parallel_loop3A_364 : f32 to vector<16xf32>
      %parallel_loop3A_386 = arith.select %parallel_loop3A_373, %parallel_loop3A_385, %parallel_loop3A_384 : vector<16xi1>, vector<16xf32>
      %parallel_loop3A_387 = vector.extract_strided_slice %parallel_loop3A_58 {offsets = [0], sizes = [1], strides = [1]} : vector<16xi32> to vector<1xi32>
      %parallel_loop3A_388 = vector.extract %parallel_loop3A_387[0] : i32 from vector<1xi32>
      %parallel_loop3A_389 = vector.extract_strided_slice %parallel_loop3A_61 {offsets = [7], sizes = [1], strides = [1]} : vector<16xi32> to vector<1xi32>
      %parallel_loop3A_390 = vector.extract %parallel_loop3A_389[0] : i32 from vector<1xi32>
      %parallel_loop3A_391 = arith.constant 4 : i32
      %parallel_loop3A_392 = arith.divsi %parallel_loop3A_388, %parallel_loop3A_391 : i32
      %parallel_loop3A_393 = arith.constant 0 : i32
      %parallel_loop3A_394 = arith.cmpi sgt, %parallel_loop3A_388, %parallel_loop3A_393 : i32
      %parallel_loop3A_395 = arith.extui %parallel_loop3A_394 : i1 to i32
      %parallel_loop3A_396 = arith.constant 0 : i32
      %parallel_loop3A_397 = arith.cmpi slt, %parallel_loop3A_388, %parallel_loop3A_396 : i32
      %parallel_loop3A_398 = arith.extui %parallel_loop3A_397 : i1 to i32
      %parallel_loop3A_399 = arith.subi %parallel_loop3A_395, %parallel_loop3A_398 : i32
      %parallel_loop3A_400 = arith.constant 0 : i32
      %parallel_loop3A_401 = arith.cmpi sgt, %parallel_loop3A_391, %parallel_loop3A_400 : i32
      %parallel_loop3A_402 = arith.extui %parallel_loop3A_401 : i1 to i32
      %parallel_loop3A_403 = arith.constant 0 : i32
      %parallel_loop3A_404 = arith.cmpi slt, %parallel_loop3A_391, %parallel_loop3A_403 : i32
      %parallel_loop3A_405 = arith.extui %parallel_loop3A_404 : i1 to i32
      %parallel_loop3A_406 = arith.subi %parallel_loop3A_402, %parallel_loop3A_405 : i32
      %parallel_loop3A_407 = arith.cmpi ne, %parallel_loop3A_399, %parallel_loop3A_406 : i32
      %parallel_loop3A_408 = arith.remsi %parallel_loop3A_388, %parallel_loop3A_391 : i32
      %parallel_loop3A_409 = arith.constant 0 : i32
      %parallel_loop3A_410 = arith.cmpi ne, %parallel_loop3A_408, %parallel_loop3A_409 : i32
      %parallel_loop3A_411 = arith.andi %parallel_loop3A_407, %parallel_loop3A_410 : i1
      %parallel_loop3A_412 = arith.constant 1 : i32
      %parallel_loop3A_413 = arith.subi %parallel_loop3A_392, %parallel_loop3A_412 : i32
      %parallel_loop3A_414 = arith.select %parallel_loop3A_411, %parallel_loop3A_413, %parallel_loop3A_392 : i32
      %parallel_loop3A_415 = arith.constant 4 : i32
      %parallel_loop3A_416 = arith.muli %parallel_loop3A_414, %parallel_loop3A_415 : i32
      %parallel_loop3A_417 = arith.constant 4 : i32
      %parallel_loop3A_418:2 = scf.for %parallel_loop3A_455 = %parallel_loop3A_416 to %parallel_loop3A_390 step %parallel_loop3A_417 iter_args(%parallel_loop3A_456 = %broadcast_in_dim3A_3, %parallel_loop3A_457 = %broadcast_in_dim3A_3) -> (vector<16xf32>, vector<16xf32>)  : i32 {
        %parallel_loop3A_458 = arith.constant 4 : i32
        %parallel_loop3A_459 = arith.muli %parallel_loop3A_458, %parallel_loop3A_455 : i32
        %parallel_loop3A_460 = arith.index_cast %parallel_loop3A_459 : i32 to index
        %parallel_loop3A_461 = tpu.vector_load %arg7[%parallel_loop3A_460] {strides = array<i32>} : memref<41024xf32, #tpu.memory_space<vmem>>, vector<16xf32>,
        %parallel_loop3A_462 = vector.shape_cast %parallel_loop3A_461 : vector<16xf32> to vector<16xf32>
        %parallel_loop3A_463 = arith.constant 0 : i32
        %parallel_loop3A_464 = arith.addi %parallel_loop3A_455, %parallel_loop3A_463 : i32
        %parallel_loop3A_465 = vector.extract_strided_slice %parallel_loop3A_462 {offsets = [0], sizes = [1], strides = [1]} : vector<16xf32> to vector<1xf32>
        %parallel_loop3A_466 = vector.extract %parallel_loop3A_465[0] : f32 from vector<1xf32>
        %parallel_loop3A_467 = vector.extract_strided_slice %parallel_loop3A_462 {offsets = [1], sizes = [1], strides = [1]} : vector<16xf32> to vector<1xf32>
        %parallel_loop3A_468 = vector.extract %parallel_loop3A_467[0] : f32 from vector<1xf32>
        %parallel_loop3A_469 = vector.extract_strided_slice %parallel_loop3A_462 {offsets = [2], sizes = [1], strides = [1]} : vector<16xf32> to vector<1xf32>
        %parallel_loop3A_470 = vector.extract %parallel_loop3A_469[0] : f32 from vector<1xf32>
        %parallel_loop3A_471 = vector.extract_strided_slice %parallel_loop3A_462 {offsets = [3], sizes = [1], strides = [1]} : vector<16xf32> to vector<1xf32>
        %parallel_loop3A_472 = vector.extract %parallel_loop3A_471[0] : f32 from vector<1xf32>
        %parallel_loop3A_473 = vector.broadcast %parallel_loop3A_464 : i32 to vector<16xi32>
        %parallel_loop3A_474 = arith.cmpi sge, %parallel_loop3A_473, %parallel_loop3A_97 : vector<16xi32>
        %parallel_loop3A_475 = vector.broadcast %parallel_loop3A_464 : i32 to vector<16xi32>
        %parallel_loop3A_476 = arith.cmpi slt, %parallel_loop3A_475, %parallel_loop3A_121 : vector<16xi32>
        %parallel_loop3A_477 = arith.andi %parallel_loop3A_474, %parallel_loop3A_476 : vector<16xi1>
        %parallel_loop3A_478 = vector.broadcast %parallel_loop3A_464 : i32 to vector<16xi32>
        %parallel_loop3A_479 = arith.cmpi ne, %parallel_loop3A_478, %parallel_loop3A_191 : vector<16xi32>
        %parallel_loop3A_480 = arith.andi %parallel_loop3A_477, %parallel_loop3A_479 : vector<16xi1>
        %parallel_loop3A_481 = vector.broadcast %parallel_loop3A_466 : f32 to vector<16xf32>
        %parallel_loop3A_482 = arith.subf %parallel_loop3A_481, %parallel_loop3A_218 : vector<16xf32>
        %parallel_loop3A_483 = vector.broadcast %parallel_loop3A_468 : f32 to vector<16xf32>
        %parallel_loop3A_484 = arith.subf %parallel_loop3A_483, %parallel_loop3A_242 : vector<16xf32>
        %parallel_loop3A_485 = vector.broadcast %parallel_loop3A_470 : f32 to vector<16xf32>
        %parallel_loop3A_486 = arith.subf %parallel_loop3A_485, %parallel_loop3A_266 : vector<16xf32>
        %parallel_loop3A_487 = arith.mulf %parallel_loop3A_482, %parallel_loop3A_482 : vector<16xf32>
        %parallel_loop3A_488 = arith.mulf %parallel_loop3A_484, %parallel_loop3A_484 : vector<16xf32>
        %parallel_loop3A_489 = arith.addf %parallel_loop3A_487, %parallel_loop3A_488 : vector<16xf32>
        %parallel_loop3A_490 = arith.mulf %parallel_loop3A_486, %parallel_loop3A_486 : vector<16xf32>
        %parallel_loop3A_491 = arith.addf %parallel_loop3A_489, %parallel_loop3A_490 : vector<16xf32>
        %parallel_loop3A_492 = arith.select %parallel_loop3A_480, %parallel_loop3A_491, %broadcast_in_dim3A_5 : vector<16xi1>, vector<16xf32>
        %parallel_loop3A_493 = tpu.bitcast %parallel_loop3A_492 : vector<16xf32> -> vector<16xi32>
        %parallel_loop3A_494 = arith.constant 1 : i32
        %parallel_loop3A_495 = vector.broadcast %parallel_loop3A_494 : i32 to vector<16xi32>
        %parallel_loop3A_496 = arith.shrui %parallel_loop3A_493, %parallel_loop3A_495 : vector<16xi32>
        %parallel_loop3A_497 = arith.constant 1597463007 : i32
        %parallel_loop3A_498 = vector.broadcast %parallel_loop3A_497 : i32 to vector<16xi32>
        %parallel_loop3A_499 = arith.subi %parallel_loop3A_498, %parallel_loop3A_496 : vector<16xi32>
        %parallel_loop3A_500 = tpu.bitcast %parallel_loop3A_499 : vector<16xi32> -> vector<16xf32>
        %parallel_loop3A_501 = arith.constant 5.000000e-01 : f32
        %parallel_loop3A_502 = vector.broadcast %parallel_loop3A_501 : f32 to vector<16xf32>
        %parallel_loop3A_503 = arith.mulf %parallel_loop3A_502, %parallel_loop3A_492 : vector<16xf32>
        %parallel_loop3A_504 = arith.mulf %parallel_loop3A_503, %parallel_loop3A_500 : vector<16xf32>
        %parallel_loop3A_505 = arith.mulf %parallel_loop3A_504, %parallel_loop3A_500 : vector<16xf32>
        %parallel_loop3A_506 = arith.constant 1.500000e+00 : f32
        %parallel_loop3A_507 = vector.broadcast %parallel_loop3A_506 : f32 to vector<16xf32>
        %parallel_loop3A_508 = arith.subf %parallel_loop3A_507, %parallel_loop3A_505 : vector<16xf32>
        %parallel_loop3A_509 = arith.mulf %parallel_loop3A_500, %parallel_loop3A_508 : vector<16xf32>
        %parallel_loop3A_510 = arith.mulf %parallel_loop3A_492, %parallel_loop3A_509 : vector<16xf32>
        %parallel_loop3A_511 = vector.broadcast %parallel_loop3A_472 : f32 to vector<16xf32>
        %parallel_loop3A_512 = arith.select %parallel_loop3A_480, %parallel_loop3A_511, %broadcast_in_dim3A_3 : vector<16xi1>, vector<16xf32>
        %parallel_loop3A_513 = arith.mulf %parallel_loop3A_512, %parallel_loop3A_509 : vector<16xf32>
        %parallel_loop3A_514 = arith.mulf %select_n3A_24, %parallel_loop3A_510 : vector<16xf32>
        %parallel_loop3A_515 = arith.constant 4.704700e-01 : f32
        %parallel_loop3A_516 = vector.broadcast %parallel_loop3A_515 : f32 to vector<16xf32>
        %parallel_loop3A_517 = arith.mulf %parallel_loop3A_516, %parallel_loop3A_514 : vector<16xf32>
        %parallel_loop3A_518 = arith.constant 1.000000e+00 : f32
        %parallel_loop3A_519 = vector.broadcast %parallel_loop3A_518 : f32 to vector<16xf32>
        %parallel_loop3A_520 = arith.addf %parallel_loop3A_519, %parallel_loop3A_517 : vector<16xf32>
        %parallel_loop3A_521 = arith.constant 1.000000e+00 : f32
        %parallel_loop3A_522 = vector.broadcast %parallel_loop3A_521 : f32 to vector<16xf32>
        %parallel_loop3A_523 = arith.divf %parallel_loop3A_522, %parallel_loop3A_520 : vector<16xf32>
        %parallel_loop3A_524 = arith.constant 0.747855603 : f32
        %parallel_loop3A_525 = vector.broadcast %parallel_loop3A_524 : f32 to vector<16xf32>
        %parallel_loop3A_526 = arith.mulf %parallel_loop3A_525, %parallel_loop3A_523 : vector<16xf32>
        %parallel_loop3A_527 = arith.constant -9.587980e-02 : f32
        %parallel_loop3A_528 = vector.broadcast %parallel_loop3A_527 : f32 to vector<16xf32>
        %parallel_loop3A_529 = arith.addf %parallel_loop3A_526, %parallel_loop3A_528 : vector<16xf32>
        %parallel_loop3A_530 = arith.mulf %parallel_loop3A_529, %parallel_loop3A_523 : vector<16xf32>
        %parallel_loop3A_531 = arith.constant 0.348024189 : f32
        %parallel_loop3A_532 = vector.broadcast %parallel_loop3A_531 : f32 to vector<16xf32>
        %parallel_loop3A_533 = arith.addf %parallel_loop3A_530, %parallel_loop3A_532 : vector<16xf32>
        %parallel_loop3A_534 = arith.mulf %parallel_loop3A_533, %parallel_loop3A_523 : vector<16xf32>
        %parallel_loop3A_535 = arith.constant 0.000000e+00 : f32
        %parallel_loop3A_536 = vector.broadcast %parallel_loop3A_535 : f32 to vector<16xf32>
        %parallel_loop3A_537 = arith.subf %parallel_loop3A_536, %mul3A_25 : vector<16xf32>
        %parallel_loop3A_538 = arith.mulf %parallel_loop3A_537, %parallel_loop3A_492 : vector<16xf32>
        %parallel_loop3A_539 = math.exp %parallel_loop3A_538 : vector<16xf32>
        %parallel_loop3A_540 = arith.mulf %parallel_loop3A_534, %parallel_loop3A_539 : vector<16xf32>
        %parallel_loop3A_541 = arith.constant 1.000000e+00 : f32
        %parallel_loop3A_542 = vector.broadcast %parallel_loop3A_541 : f32 to vector<16xf32>
        %parallel_loop3A_543 = arith.subf %parallel_loop3A_542, %parallel_loop3A_540 : vector<16xf32>
        %parallel_loop3A_544 = arith.mulf %parallel_loop3A_513, %parallel_loop3A_543 : vector<16xf32>
        %parallel_loop3A_545 = vector.broadcast %parallel_loop3A_464 : i32 to vector<16xi32>
        %parallel_loop3A_546 = arith.cmpi sge, %parallel_loop3A_545, %parallel_loop3A_145 : vector<16xi32>
        %parallel_loop3A_547 = vector.broadcast %parallel_loop3A_464 : i32 to vector<16xi32>
        %parallel_loop3A_548 = arith.cmpi slt, %parallel_loop3A_547, %parallel_loop3A_169 : vector<16xi32>
        %parallel_loop3A_549 = arith.andi %parallel_loop3A_546, %parallel_loop3A_548 : vector<16xi1>
        %parallel_loop3A_550 = vector.broadcast %parallel_loop3A_464 : i32 to vector<16xi32>
        %parallel_loop3A_551 = arith.cmpi ne, %parallel_loop3A_550, %parallel_loop3A_194 : vector<16xi32>
        %parallel_loop3A_552 = arith.andi %parallel_loop3A_549, %parallel_loop3A_551 : vector<16xi1>
        %parallel_loop3A_553 = vector.broadcast %parallel_loop3A_466 : f32 to vector<16xf32>
        %parallel_loop3A_554 = arith.subf %parallel_loop3A_553, %parallel_loop3A_314 : vector<16xf32>
        %parallel_loop3A_555 = vector.broadcast %parallel_loop3A_468 : f32 to vector<16xf32>
        %parallel_loop3A_556 = arith.subf %parallel_loop3A_555, %parallel_loop3A_338 : vector<16xf32>
        %parallel_loop3A_557 = vector.broadcast %parallel_loop3A_470 : f32 to vector<16xf32>
        %parallel_loop3A_558 = arith.subf %parallel_loop3A_557, %parallel_loop3A_362 : vector<16xf32>
        %parallel_loop3A_559 = arith.mulf %parallel_loop3A_554, %parallel_loop3A_554 : vector<16xf32>
        %parallel_loop3A_560 = arith.mulf %parallel_loop3A_556, %parallel_loop3A_556 : vector<16xf32>
        %parallel_loop3A_561 = arith.addf %parallel_loop3A_559, %parallel_loop3A_560 : vector<16xf32>
        %parallel_loop3A_562 = arith.mulf %parallel_loop3A_558, %parallel_loop3A_558 : vector<16xf32>
        %parallel_loop3A_563 = arith.addf %parallel_loop3A_561, %parallel_loop3A_562 : vector<16xf32>
        %parallel_loop3A_564 = arith.select %parallel_loop3A_552, %parallel_loop3A_563, %broadcast_in_dim3A_5 : vector<16xi1>, vector<16xf32>
        %parallel_loop3A_565 = tpu.bitcast %parallel_loop3A_564 : vector<16xf32> -> vector<16xi32>
        %parallel_loop3A_566 = arith.constant 1 : i32
        %parallel_loop3A_567 = vector.broadcast %parallel_loop3A_566 : i32 to vector<16xi32>
        %parallel_loop3A_568 = arith.shrui %parallel_loop3A_565, %parallel_loop3A_567 : vector<16xi32>
        %parallel_loop3A_569 = arith.constant 1597463007 : i32
        %parallel_loop3A_570 = vector.broadcast %parallel_loop3A_569 : i32 to vector<16xi32>
        %parallel_loop3A_571 = arith.subi %parallel_loop3A_570, %parallel_loop3A_568 : vector<16xi32>
        %parallel_loop3A_572 = tpu.bitcast %parallel_loop3A_571 : vector<16xi32> -> vector<16xf32>
        %parallel_loop3A_573 = arith.constant 5.000000e-01 : f32
        %parallel_loop3A_574 = vector.broadcast %parallel_loop3A_573 : f32 to vector<16xf32>
        %parallel_loop3A_575 = arith.mulf %parallel_loop3A_574, %parallel_loop3A_564 : vector<16xf32>
        %parallel_loop3A_576 = arith.mulf %parallel_loop3A_575, %parallel_loop3A_572 : vector<16xf32>
        %parallel_loop3A_577 = arith.mulf %parallel_loop3A_576, %parallel_loop3A_572 : vector<16xf32>
        %parallel_loop3A_578 = arith.constant 1.500000e+00 : f32
        %parallel_loop3A_579 = vector.broadcast %parallel_loop3A_578 : f32 to vector<16xf32>
        %parallel_loop3A_580 = arith.subf %parallel_loop3A_579, %parallel_loop3A_577 : vector<16xf32>
        %parallel_loop3A_581 = arith.mulf %parallel_loop3A_572, %parallel_loop3A_580 : vector<16xf32>
        %parallel_loop3A_582 = arith.mulf %parallel_loop3A_564, %parallel_loop3A_581 : vector<16xf32>
        %parallel_loop3A_583 = vector.broadcast %parallel_loop3A_472 : f32 to vector<16xf32>
        %parallel_loop3A_584 = arith.select %parallel_loop3A_552, %parallel_loop3A_583, %broadcast_in_dim3A_3 : vector<16xi1>, vector<16xf32>
        %parallel_loop3A_585 = arith.mulf %parallel_loop3A_584, %parallel_loop3A_581 : vector<16xf32>
        %parallel_loop3A_586 = arith.mulf %select_n3A_24, %parallel_loop3A_582 : vector<16xf32>
        %parallel_loop3A_587 = arith.constant 4.704700e-01 : f32
        %parallel_loop3A_588 = vector.broadcast %parallel_loop3A_587 : f32 to vector<16xf32>
        %parallel_loop3A_589 = arith.mulf %parallel_loop3A_588, %parallel_loop3A_586 : vector<16xf32>
        %parallel_loop3A_590 = arith.constant 1.000000e+00 : f32
        %parallel_loop3A_591 = vector.broadcast %parallel_loop3A_590 : f32 to vector<16xf32>
        %parallel_loop3A_592 = arith.addf %parallel_loop3A_591, %parallel_loop3A_589 : vector<16xf32>
        %parallel_loop3A_593 = arith.constant 1.000000e+00 : f32
        %parallel_loop3A_594 = vector.broadcast %parallel_loop3A_593 : f32 to vector<16xf32>
        %parallel_loop3A_595 = arith.divf %parallel_loop3A_594, %parallel_loop3A_592 : vector<16xf32>
        %parallel_loop3A_596 = arith.constant 0.747855603 : f32
        %parallel_loop3A_597 = vector.broadcast %parallel_loop3A_596 : f32 to vector<16xf32>
        %parallel_loop3A_598 = arith.mulf %parallel_loop3A_597, %parallel_loop3A_595 : vector<16xf32>
        %parallel_loop3A_599 = arith.constant -9.587980e-02 : f32
        %parallel_loop3A_600 = vector.broadcast %parallel_loop3A_599 : f32 to vector<16xf32>
        %parallel_loop3A_601 = arith.addf %parallel_loop3A_598, %parallel_loop3A_600 : vector<16xf32>
        %parallel_loop3A_602 = arith.mulf %parallel_loop3A_601, %parallel_loop3A_595 : vector<16xf32>
        %parallel_loop3A_603 = arith.constant 0.348024189 : f32
        %parallel_loop3A_604 = vector.broadcast %parallel_loop3A_603 : f32 to vector<16xf32>
        %parallel_loop3A_605 = arith.addf %parallel_loop3A_602, %parallel_loop3A_604 : vector<16xf32>
        %parallel_loop3A_606 = arith.mulf %parallel_loop3A_605, %parallel_loop3A_595 : vector<16xf32>
        %parallel_loop3A_607 = arith.constant 0.000000e+00 : f32
        %parallel_loop3A_608 = vector.broadcast %parallel_loop3A_607 : f32 to vector<16xf32>
        %parallel_loop3A_609 = arith.subf %parallel_loop3A_608, %mul3A_25 : vector<16xf32>
        %parallel_loop3A_610 = arith.mulf %parallel_loop3A_609, %parallel_loop3A_564 : vector<16xf32>
        %parallel_loop3A_611 = math.exp %parallel_loop3A_610 : vector<16xf32>
        %parallel_loop3A_612 = arith.mulf %parallel_loop3A_606, %parallel_loop3A_611 : vector<16xf32>
        %parallel_loop3A_613 = arith.constant 1.000000e+00 : f32
        %parallel_loop3A_614 = vector.broadcast %parallel_loop3A_613 : f32 to vector<16xf32>
        %parallel_loop3A_615 = arith.subf %parallel_loop3A_614, %parallel_loop3A_612 : vector<16xf32>
        %parallel_loop3A_616 = arith.mulf %parallel_loop3A_585, %parallel_loop3A_615 : vector<16xf32>
        %parallel_loop3A_617 = arith.constant 1 : i32
        %parallel_loop3A_618 = arith.addi %parallel_loop3A_455, %parallel_loop3A_617 : i32
        %parallel_loop3A_619 = vector.extract_strided_slice %parallel_loop3A_462 {offsets = [4], sizes = [1], strides = [1]} : vector<16xf32> to vector<1xf32>
        %parallel_loop3A_620 = vector.extract %parallel_loop3A_619[0] : f32 from vector<1xf32>
        %parallel_loop3A_621 = vector.extract_strided_slice %parallel_loop3A_462 {offsets = [5], sizes = [1], strides = [1]} : vector<16xf32> to vector<1xf32>
        %parallel_loop3A_622 = vector.extract %parallel_loop3A_621[0] : f32 from vector<1xf32>
        %parallel_loop3A_623 = vector.extract_strided_slice %parallel_loop3A_462 {offsets = [6], sizes = [1], strides = [1]} : vector<16xf32> to vector<1xf32>
        %parallel_loop3A_624 = vector.extract %parallel_loop3A_623[0] : f32 from vector<1xf32>
        %parallel_loop3A_625 = vector.extract_strided_slice %parallel_loop3A_462 {offsets = [7], sizes = [1], strides = [1]} : vector<16xf32> to vector<1xf32>
        %parallel_loop3A_626 = vector.extract %parallel_loop3A_625[0] : f32 from vector<1xf32>
        %parallel_loop3A_627 = vector.broadcast %parallel_loop3A_618 : i32 to vector<16xi32>
        %parallel_loop3A_628 = arith.cmpi sge, %parallel_loop3A_627, %parallel_loop3A_97 : vector<16xi32>
        %parallel_loop3A_629 = vector.broadcast %parallel_loop3A_618 : i32 to vector<16xi32>
        %parallel_loop3A_630 = arith.cmpi slt, %parallel_loop3A_629, %parallel_loop3A_121 : vector<16xi32>
        %parallel_loop3A_631 = arith.andi %parallel_loop3A_628, %parallel_loop3A_630 : vector<16xi1>
        %parallel_loop3A_632 = vector.broadcast %parallel_loop3A_618 : i32 to vector<16xi32>
        %parallel_loop3A_633 = arith.cmpi ne, %parallel_loop3A_632, %parallel_loop3A_191 : vector<16xi32>
        %parallel_loop3A_634 = arith.andi %parallel_loop3A_631, %parallel_loop3A_633 : vector<16xi1>
        %parallel_loop3A_635 = vector.broadcast %parallel_loop3A_620 : f32 to vector<16xf32>
        %parallel_loop3A_636 = arith.subf %parallel_loop3A_635, %parallel_loop3A_218 : vector<16xf32>
        %parallel_loop3A_637 = vector.broadcast %parallel_loop3A_622 : f32 to vector<16xf32>
        %parallel_loop3A_638 = arith.subf %parallel_loop3A_637, %parallel_loop3A_242 : vector<16xf32>
        %parallel_loop3A_639 = vector.broadcast %parallel_loop3A_624 : f32 to vector<16xf32>
        %parallel_loop3A_640 = arith.subf %parallel_loop3A_639, %parallel_loop3A_266 : vector<16xf32>
        %parallel_loop3A_641 = arith.mulf %parallel_loop3A_636, %parallel_loop3A_636 : vector<16xf32>
        %parallel_loop3A_642 = arith.mulf %parallel_loop3A_638, %parallel_loop3A_638 : vector<16xf32>
        %parallel_loop3A_643 = arith.addf %parallel_loop3A_641, %parallel_loop3A_642 : vector<16xf32>
        %parallel_loop3A_644 = arith.mulf %parallel_loop3A_640, %parallel_loop3A_640 : vector<16xf32>
        %parallel_loop3A_645 = arith.addf %parallel_loop3A_643, %parallel_loop3A_644 : vector<16xf32>
        %parallel_loop3A_646 = arith.select %parallel_loop3A_634, %parallel_loop3A_645, %broadcast_in_dim3A_5 : vector<16xi1>, vector<16xf32>
        %parallel_loop3A_647 = tpu.bitcast %parallel_loop3A_646 : vector<16xf32> -> vector<16xi32>
        %parallel_loop3A_648 = arith.constant 1 : i32
        %parallel_loop3A_649 = vector.broadcast %parallel_loop3A_648 : i32 to vector<16xi32>
        %parallel_loop3A_650 = arith.shrui %parallel_loop3A_647, %parallel_loop3A_649 : vector<16xi32>
        %parallel_loop3A_651 = arith.constant 1597463007 : i32
        %parallel_loop3A_652 = vector.broadcast %parallel_loop3A_651 : i32 to vector<16xi32>
        %parallel_loop3A_653 = arith.subi %parallel_loop3A_652, %parallel_loop3A_650 : vector<16xi32>
        %parallel_loop3A_654 = tpu.bitcast %parallel_loop3A_653 : vector<16xi32> -> vector<16xf32>
        %parallel_loop3A_655 = arith.constant 5.000000e-01 : f32
        %parallel_loop3A_656 = vector.broadcast %parallel_loop3A_655 : f32 to vector<16xf32>
        %parallel_loop3A_657 = arith.mulf %parallel_loop3A_656, %parallel_loop3A_646 : vector<16xf32>
        %parallel_loop3A_658 = arith.mulf %parallel_loop3A_657, %parallel_loop3A_654 : vector<16xf32>
        %parallel_loop3A_659 = arith.mulf %parallel_loop3A_658, %parallel_loop3A_654 : vector<16xf32>
        %parallel_loop3A_660 = arith.constant 1.500000e+00 : f32
        %parallel_loop3A_661 = vector.broadcast %parallel_loop3A_660 : f32 to vector<16xf32>
        %parallel_loop3A_662 = arith.subf %parallel_loop3A_661, %parallel_loop3A_659 : vector<16xf32>
        %parallel_loop3A_663 = arith.mulf %parallel_loop3A_654, %parallel_loop3A_662 : vector<16xf32>
        %parallel_loop3A_664 = arith.mulf %parallel_loop3A_646, %parallel_loop3A_663 : vector<16xf32>
        %parallel_loop3A_665 = vector.broadcast %parallel_loop3A_626 : f32 to vector<16xf32>
        %parallel_loop3A_666 = arith.select %parallel_loop3A_634, %parallel_loop3A_665, %broadcast_in_dim3A_3 : vector<16xi1>, vector<16xf32>
        %parallel_loop3A_667 = arith.mulf %parallel_loop3A_666, %parallel_loop3A_663 : vector<16xf32>
        %parallel_loop3A_668 = arith.mulf %select_n3A_24, %parallel_loop3A_664 : vector<16xf32>
        %parallel_loop3A_669 = arith.constant 4.704700e-01 : f32
        %parallel_loop3A_670 = vector.broadcast %parallel_loop3A_669 : f32 to vector<16xf32>
        %parallel_loop3A_671 = arith.mulf %parallel_loop3A_670, %parallel_loop3A_668 : vector<16xf32>
        %parallel_loop3A_672 = arith.constant 1.000000e+00 : f32
        %parallel_loop3A_673 = vector.broadcast %parallel_loop3A_672 : f32 to vector<16xf32>
        %parallel_loop3A_674 = arith.addf %parallel_loop3A_673, %parallel_loop3A_671 : vector<16xf32>
        %parallel_loop3A_675 = arith.constant 1.000000e+00 : f32
        %parallel_loop3A_676 = vector.broadcast %parallel_loop3A_675 : f32 to vector<16xf32>
        %parallel_loop3A_677 = arith.divf %parallel_loop3A_676, %parallel_loop3A_674 : vector<16xf32>
        %parallel_loop3A_678 = arith.constant 0.747855603 : f32
        %parallel_loop3A_679 = vector.broadcast %parallel_loop3A_678 : f32 to vector<16xf32>
        %parallel_loop3A_680 = arith.mulf %parallel_loop3A_679, %parallel_loop3A_677 : vector<16xf32>
        %parallel_loop3A_681 = arith.constant -9.587980e-02 : f32
        %parallel_loop3A_682 = vector.broadcast %parallel_loop3A_681 : f32 to vector<16xf32>
        %parallel_loop3A_683 = arith.addf %parallel_loop3A_680, %parallel_loop3A_682 : vector<16xf32>
        %parallel_loop3A_684 = arith.mulf %parallel_loop3A_683, %parallel_loop3A_677 : vector<16xf32>
        %parallel_loop3A_685 = arith.constant 0.348024189 : f32
        %parallel_loop3A_686 = vector.broadcast %parallel_loop3A_685 : f32 to vector<16xf32>
        %parallel_loop3A_687 = arith.addf %parallel_loop3A_684, %parallel_loop3A_686 : vector<16xf32>
        %parallel_loop3A_688 = arith.mulf %parallel_loop3A_687, %parallel_loop3A_677 : vector<16xf32>
        %parallel_loop3A_689 = arith.constant 0.000000e+00 : f32
        %parallel_loop3A_690 = vector.broadcast %parallel_loop3A_689 : f32 to vector<16xf32>
        %parallel_loop3A_691 = arith.subf %parallel_loop3A_690, %mul3A_25 : vector<16xf32>
        %parallel_loop3A_692 = arith.mulf %parallel_loop3A_691, %parallel_loop3A_646 : vector<16xf32>
        %parallel_loop3A_693 = math.exp %parallel_loop3A_692 : vector<16xf32>
        %parallel_loop3A_694 = arith.mulf %parallel_loop3A_688, %parallel_loop3A_693 : vector<16xf32>
        %parallel_loop3A_695 = arith.constant 1.000000e+00 : f32
        %parallel_loop3A_696 = vector.broadcast %parallel_loop3A_695 : f32 to vector<16xf32>
        %parallel_loop3A_697 = arith.subf %parallel_loop3A_696, %parallel_loop3A_694 : vector<16xf32>
        %parallel_loop3A_698 = arith.mulf %parallel_loop3A_667, %parallel_loop3A_697 : vector<16xf32>
        %parallel_loop3A_699 = vector.broadcast %parallel_loop3A_618 : i32 to vector<16xi32>
        %parallel_loop3A_700 = arith.cmpi sge, %parallel_loop3A_699, %parallel_loop3A_145 : vector<16xi32>
        %parallel_loop3A_701 = vector.broadcast %parallel_loop3A_618 : i32 to vector<16xi32>
        %parallel_loop3A_702 = arith.cmpi slt, %parallel_loop3A_701, %parallel_loop3A_169 : vector<16xi32>
        %parallel_loop3A_703 = arith.andi %parallel_loop3A_700, %parallel_loop3A_702 : vector<16xi1>
        %parallel_loop3A_704 = vector.broadcast %parallel_loop3A_618 : i32 to vector<16xi32>
        %parallel_loop3A_705 = arith.cmpi ne, %parallel_loop3A_704, %parallel_loop3A_194 : vector<16xi32>
        %parallel_loop3A_706 = arith.andi %parallel_loop3A_703, %parallel_loop3A_705 : vector<16xi1>
        %parallel_loop3A_707 = vector.broadcast %parallel_loop3A_620 : f32 to vector<16xf32>
        %parallel_loop3A_708 = arith.subf %parallel_loop3A_707, %parallel_loop3A_314 : vector<16xf32>
        %parallel_loop3A_709 = vector.broadcast %parallel_loop3A_622 : f32 to vector<16xf32>
        %parallel_loop3A_710 = arith.subf %parallel_loop3A_709, %parallel_loop3A_338 : vector<16xf32>
        %parallel_loop3A_711 = vector.broadcast %parallel_loop3A_624 : f32 to vector<16xf32>
        %parallel_loop3A_712 = arith.subf %parallel_loop3A_711, %parallel_loop3A_362 : vector<16xf32>
        %parallel_loop3A_713 = arith.mulf %parallel_loop3A_708, %parallel_loop3A_708 : vector<16xf32>
        %parallel_loop3A_714 = arith.mulf %parallel_loop3A_710, %parallel_loop3A_710 : vector<16xf32>
        %parallel_loop3A_715 = arith.addf %parallel_loop3A_713, %parallel_loop3A_714 : vector<16xf32>
        %parallel_loop3A_716 = arith.mulf %parallel_loop3A_712, %parallel_loop3A_712 : vector<16xf32>
        %parallel_loop3A_717 = arith.addf %parallel_loop3A_715, %parallel_loop3A_716 : vector<16xf32>
        %parallel_loop3A_718 = arith.select %parallel_loop3A_706, %parallel_loop3A_717, %broadcast_in_dim3A_5 : vector<16xi1>, vector<16xf32>
        %parallel_loop3A_719 = tpu.bitcast %parallel_loop3A_718 : vector<16xf32> -> vector<16xi32>
        %parallel_loop3A_720 = arith.constant 1 : i32
        %parallel_loop3A_721 = vector.broadcast %parallel_loop3A_720 : i32 to vector<16xi32>
        %parallel_loop3A_722 = arith.shrui %parallel_loop3A_719, %parallel_loop3A_721 : vector<16xi32>
        %parallel_loop3A_723 = arith.constant 1597463007 : i32
        %parallel_loop3A_724 = vector.broadcast %parallel_loop3A_723 : i32 to vector<16xi32>
        %parallel_loop3A_725 = arith.subi %parallel_loop3A_724, %parallel_loop3A_722 : vector<16xi32>
        %parallel_loop3A_726 = tpu.bitcast %parallel_loop3A_725 : vector<16xi32> -> vector<16xf32>
        %parallel_loop3A_727 = arith.constant 5.000000e-01 : f32
        %parallel_loop3A_728 = vector.broadcast %parallel_loop3A_727 : f32 to vector<16xf32>
        %parallel_loop3A_729 = arith.mulf %parallel_loop3A_728, %parallel_loop3A_718 : vector<16xf32>
        %parallel_loop3A_730 = arith.mulf %parallel_loop3A_729, %parallel_loop3A_726 : vector<16xf32>
        %parallel_loop3A_731 = arith.mulf %parallel_loop3A_730, %parallel_loop3A_726 : vector<16xf32>
        %parallel_loop3A_732 = arith.constant 1.500000e+00 : f32
        %parallel_loop3A_733 = vector.broadcast %parallel_loop3A_732 : f32 to vector<16xf32>
        %parallel_loop3A_734 = arith.subf %parallel_loop3A_733, %parallel_loop3A_731 : vector<16xf32>
        %parallel_loop3A_735 = arith.mulf %parallel_loop3A_726, %parallel_loop3A_734 : vector<16xf32>
        %parallel_loop3A_736 = arith.mulf %parallel_loop3A_718, %parallel_loop3A_735 : vector<16xf32>
        %parallel_loop3A_737 = vector.broadcast %parallel_loop3A_626 : f32 to vector<16xf32>
        %parallel_loop3A_738 = arith.select %parallel_loop3A_706, %parallel_loop3A_737, %broadcast_in_dim3A_3 : vector<16xi1>, vector<16xf32>
        %parallel_loop3A_739 = arith.mulf %parallel_loop3A_738, %parallel_loop3A_735 : vector<16xf32>
        %parallel_loop3A_740 = arith.mulf %select_n3A_24, %parallel_loop3A_736 : vector<16xf32>
        %parallel_loop3A_741 = arith.constant 4.704700e-01 : f32
        %parallel_loop3A_742 = vector.broadcast %parallel_loop3A_741 : f32 to vector<16xf32>
        %parallel_loop3A_743 = arith.mulf %parallel_loop3A_742, %parallel_loop3A_740 : vector<16xf32>
        %parallel_loop3A_744 = arith.constant 1.000000e+00 : f32
        %parallel_loop3A_745 = vector.broadcast %parallel_loop3A_744 : f32 to vector<16xf32>
        %parallel_loop3A_746 = arith.addf %parallel_loop3A_745, %parallel_loop3A_743 : vector<16xf32>
        %parallel_loop3A_747 = arith.constant 1.000000e+00 : f32
        %parallel_loop3A_748 = vector.broadcast %parallel_loop3A_747 : f32 to vector<16xf32>
        %parallel_loop3A_749 = arith.divf %parallel_loop3A_748, %parallel_loop3A_746 : vector<16xf32>
        %parallel_loop3A_750 = arith.constant 0.747855603 : f32
        %parallel_loop3A_751 = vector.broadcast %parallel_loop3A_750 : f32 to vector<16xf32>
        %parallel_loop3A_752 = arith.mulf %parallel_loop3A_751, %parallel_loop3A_749 : vector<16xf32>
        %parallel_loop3A_753 = arith.constant -9.587980e-02 : f32
        %parallel_loop3A_754 = vector.broadcast %parallel_loop3A_753 : f32 to vector<16xf32>
        %parallel_loop3A_755 = arith.addf %parallel_loop3A_752, %parallel_loop3A_754 : vector<16xf32>
        %parallel_loop3A_756 = arith.mulf %parallel_loop3A_755, %parallel_loop3A_749 : vector<16xf32>
        %parallel_loop3A_757 = arith.constant 0.348024189 : f32
        %parallel_loop3A_758 = vector.broadcast %parallel_loop3A_757 : f32 to vector<16xf32>
        %parallel_loop3A_759 = arith.addf %parallel_loop3A_756, %parallel_loop3A_758 : vector<16xf32>
        %parallel_loop3A_760 = arith.mulf %parallel_loop3A_759, %parallel_loop3A_749 : vector<16xf32>
        %parallel_loop3A_761 = arith.constant 0.000000e+00 : f32
        %parallel_loop3A_762 = vector.broadcast %parallel_loop3A_761 : f32 to vector<16xf32>
        %parallel_loop3A_763 = arith.subf %parallel_loop3A_762, %mul3A_25 : vector<16xf32>
        %parallel_loop3A_764 = arith.mulf %parallel_loop3A_763, %parallel_loop3A_718 : vector<16xf32>
        %parallel_loop3A_765 = math.exp %parallel_loop3A_764 : vector<16xf32>
        %parallel_loop3A_766 = arith.mulf %parallel_loop3A_760, %parallel_loop3A_765 : vector<16xf32>
        %parallel_loop3A_767 = arith.constant 1.000000e+00 : f32
        %parallel_loop3A_768 = vector.broadcast %parallel_loop3A_767 : f32 to vector<16xf32>
        %parallel_loop3A_769 = arith.subf %parallel_loop3A_768, %parallel_loop3A_766 : vector<16xf32>
        %parallel_loop3A_770 = arith.mulf %parallel_loop3A_739, %parallel_loop3A_769 : vector<16xf32>
        %parallel_loop3A_771 = arith.constant 2 : i32
        %parallel_loop3A_772 = arith.addi %parallel_loop3A_455, %parallel_loop3A_771 : i32
        %parallel_loop3A_773 = vector.extract_strided_slice %parallel_loop3A_462 {offsets = [8], sizes = [1], strides = [1]} : vector<16xf32> to vector<1xf32>
        %parallel_loop3A_774 = vector.extract %parallel_loop3A_773[0] : f32 from vector<1xf32>
        %parallel_loop3A_775 = vector.extract_strided_slice %parallel_loop3A_462 {offsets = [9], sizes = [1], strides = [1]} : vector<16xf32> to vector<1xf32>
        %parallel_loop3A_776 = vector.extract %parallel_loop3A_775[0] : f32 from vector<1xf32>
        %parallel_loop3A_777 = vector.extract_strided_slice %parallel_loop3A_462 {offsets = [10], sizes = [1], strides = [1]} : vector<16xf32> to vector<1xf32>
        %parallel_loop3A_778 = vector.extract %parallel_loop3A_777[0] : f32 from vector<1xf32>
        %parallel_loop3A_779 = vector.extract_strided_slice %parallel_loop3A_462 {offsets = [11], sizes = [1], strides = [1]} : vector<16xf32> to vector<1xf32>
        %parallel_loop3A_780 = vector.extract %parallel_loop3A_779[0] : f32 from vector<1xf32>
        %parallel_loop3A_781 = vector.broadcast %parallel_loop3A_772 : i32 to vector<16xi32>
        %parallel_loop3A_782 = arith.cmpi sge, %parallel_loop3A_781, %parallel_loop3A_97 : vector<16xi32>
        %parallel_loop3A_783 = vector.broadcast %parallel_loop3A_772 : i32 to vector<16xi32>
        %parallel_loop3A_784 = arith.cmpi slt, %parallel_loop3A_783, %parallel_loop3A_121 : vector<16xi32>
        %parallel_loop3A_785 = arith.andi %parallel_loop3A_782, %parallel_loop3A_784 : vector<16xi1>
        %parallel_loop3A_786 = vector.broadcast %parallel_loop3A_772 : i32 to vector<16xi32>
        %parallel_loop3A_787 = arith.cmpi ne, %parallel_loop3A_786, %parallel_loop3A_191 : vector<16xi32>
        %parallel_loop3A_788 = arith.andi %parallel_loop3A_785, %parallel_loop3A_787 : vector<16xi1>
        %parallel_loop3A_789 = vector.broadcast %parallel_loop3A_774 : f32 to vector<16xf32>
        %parallel_loop3A_790 = arith.subf %parallel_loop3A_789, %parallel_loop3A_218 : vector<16xf32>
        %parallel_loop3A_791 = vector.broadcast %parallel_loop3A_776 : f32 to vector<16xf32>
        %parallel_loop3A_792 = arith.subf %parallel_loop3A_791, %parallel_loop3A_242 : vector<16xf32>
        %parallel_loop3A_793 = vector.broadcast %parallel_loop3A_778 : f32 to vector<16xf32>
        %parallel_loop3A_794 = arith.subf %parallel_loop3A_793, %parallel_loop3A_266 : vector<16xf32>
        %parallel_loop3A_795 = arith.mulf %parallel_loop3A_790, %parallel_loop3A_790 : vector<16xf32>
        %parallel_loop3A_796 = arith.mulf %parallel_loop3A_792, %parallel_loop3A_792 : vector<16xf32>
        %parallel_loop3A_797 = arith.addf %parallel_loop3A_795, %parallel_loop3A_796 : vector<16xf32>
        %parallel_loop3A_798 = arith.mulf %parallel_loop3A_794, %parallel_loop3A_794 : vector<16xf32>
        %parallel_loop3A_799 = arith.addf %parallel_loop3A_797, %parallel_loop3A_798 : vector<16xf32>
        %parallel_loop3A_800 = arith.select %parallel_loop3A_788, %parallel_loop3A_799, %broadcast_in_dim3A_5 : vector<16xi1>, vector<16xf32>
        %parallel_loop3A_801 = tpu.bitcast %parallel_loop3A_800 : vector<16xf32> -> vector<16xi32>
        %parallel_loop3A_802 = arith.constant 1 : i32
        %parallel_loop3A_803 = vector.broadcast %parallel_loop3A_802 : i32 to vector<16xi32>
        %parallel_loop3A_804 = arith.shrui %parallel_loop3A_801, %parallel_loop3A_803 : vector<16xi32>
        %parallel_loop3A_805 = arith.constant 1597463007 : i32
        %parallel_loop3A_806 = vector.broadcast %parallel_loop3A_805 : i32 to vector<16xi32>
        %parallel_loop3A_807 = arith.subi %parallel_loop3A_806, %parallel_loop3A_804 : vector<16xi32>
        %parallel_loop3A_808 = tpu.bitcast %parallel_loop3A_807 : vector<16xi32> -> vector<16xf32>
        %parallel_loop3A_809 = arith.constant 5.000000e-01 : f32
        %parallel_loop3A_810 = vector.broadcast %parallel_loop3A_809 : f32 to vector<16xf32>
        %parallel_loop3A_811 = arith.mulf %parallel_loop3A_810, %parallel_loop3A_800 : vector<16xf32>
        %parallel_loop3A_812 = arith.mulf %parallel_loop3A_811, %parallel_loop3A_808 : vector<16xf32>
        %parallel_loop3A_813 = arith.mulf %parallel_loop3A_812, %parallel_loop3A_808 : vector<16xf32>
        %parallel_loop3A_814 = arith.constant 1.500000e+00 : f32
        %parallel_loop3A_815 = vector.broadcast %parallel_loop3A_814 : f32 to vector<16xf32>
        %parallel_loop3A_816 = arith.subf %parallel_loop3A_815, %parallel_loop3A_813 : vector<16xf32>
        %parallel_loop3A_817 = arith.mulf %parallel_loop3A_808, %parallel_loop3A_816 : vector<16xf32>
        %parallel_loop3A_818 = arith.mulf %parallel_loop3A_800, %parallel_loop3A_817 : vector<16xf32>
        %parallel_loop3A_819 = vector.broadcast %parallel_loop3A_780 : f32 to vector<16xf32>
        %parallel_loop3A_820 = arith.select %parallel_loop3A_788, %parallel_loop3A_819, %broadcast_in_dim3A_3 : vector<16xi1>, vector<16xf32>
        %parallel_loop3A_821 = arith.mulf %parallel_loop3A_820, %parallel_loop3A_817 : vector<16xf32>
        %parallel_loop3A_822 = arith.mulf %select_n3A_24, %parallel_loop3A_818 : vector<16xf32>
        %parallel_loop3A_823 = arith.constant 4.704700e-01 : f32
        %parallel_loop3A_824 = vector.broadcast %parallel_loop3A_823 : f32 to vector<16xf32>
        %parallel_loop3A_825 = arith.mulf %parallel_loop3A_824, %parallel_loop3A_822 : vector<16xf32>
        %parallel_loop3A_826 = arith.constant 1.000000e+00 : f32
        %parallel_loop3A_827 = vector.broadcast %parallel_loop3A_826 : f32 to vector<16xf32>
        %parallel_loop3A_828 = arith.addf %parallel_loop3A_827, %parallel_loop3A_825 : vector<16xf32>
        %parallel_loop3A_829 = arith.constant 1.000000e+00 : f32
        %parallel_loop3A_830 = vector.broadcast %parallel_loop3A_829 : f32 to vector<16xf32>
        %parallel_loop3A_831 = arith.divf %parallel_loop3A_830, %parallel_loop3A_828 : vector<16xf32>
        %parallel_loop3A_832 = arith.constant 0.747855603 : f32
        %parallel_loop3A_833 = vector.broadcast %parallel_loop3A_832 : f32 to vector<16xf32>
        %parallel_loop3A_834 = arith.mulf %parallel_loop3A_833, %parallel_loop3A_831 : vector<16xf32>
        %parallel_loop3A_835 = arith.constant -9.587980e-02 : f32
        %parallel_loop3A_836 = vector.broadcast %parallel_loop3A_835 : f32 to vector<16xf32>
        %parallel_loop3A_837 = arith.addf %parallel_loop3A_834, %parallel_loop3A_836 : vector<16xf32>
        %parallel_loop3A_838 = arith.mulf %parallel_loop3A_837, %parallel_loop3A_831 : vector<16xf32>
        %parallel_loop3A_839 = arith.constant 0.348024189 : f32
        %parallel_loop3A_840 = vector.broadcast %parallel_loop3A_839 : f32 to vector<16xf32>
        %parallel_loop3A_841 = arith.addf %parallel_loop3A_838, %parallel_loop3A_840 : vector<16xf32>
        %parallel_loop3A_842 = arith.mulf %parallel_loop3A_841, %parallel_loop3A_831 : vector<16xf32>
        %parallel_loop3A_843 = arith.constant 0.000000e+00 : f32
        %parallel_loop3A_844 = vector.broadcast %parallel_loop3A_843 : f32 to vector<16xf32>
        %parallel_loop3A_845 = arith.subf %parallel_loop3A_844, %mul3A_25 : vector<16xf32>
        %parallel_loop3A_846 = arith.mulf %parallel_loop3A_845, %parallel_loop3A_800 : vector<16xf32>
        %parallel_loop3A_847 = math.exp %parallel_loop3A_846 : vector<16xf32>
        %parallel_loop3A_848 = arith.mulf %parallel_loop3A_842, %parallel_loop3A_847 : vector<16xf32>
        %parallel_loop3A_849 = arith.constant 1.000000e+00 : f32
        %parallel_loop3A_850 = vector.broadcast %parallel_loop3A_849 : f32 to vector<16xf32>
        %parallel_loop3A_851 = arith.subf %parallel_loop3A_850, %parallel_loop3A_848 : vector<16xf32>
        %parallel_loop3A_852 = arith.mulf %parallel_loop3A_821, %parallel_loop3A_851 : vector<16xf32>
        %parallel_loop3A_853 = vector.broadcast %parallel_loop3A_772 : i32 to vector<16xi32>
        %parallel_loop3A_854 = arith.cmpi sge, %parallel_loop3A_853, %parallel_loop3A_145 : vector<16xi32>
        %parallel_loop3A_855 = vector.broadcast %parallel_loop3A_772 : i32 to vector<16xi32>
        %parallel_loop3A_856 = arith.cmpi slt, %parallel_loop3A_855, %parallel_loop3A_169 : vector<16xi32>
        %parallel_loop3A_857 = arith.andi %parallel_loop3A_854, %parallel_loop3A_856 : vector<16xi1>
        %parallel_loop3A_858 = vector.broadcast %parallel_loop3A_772 : i32 to vector<16xi32>
        %parallel_loop3A_859 = arith.cmpi ne, %parallel_loop3A_858, %parallel_loop3A_194 : vector<16xi32>
        %parallel_loop3A_860 = arith.andi %parallel_loop3A_857, %parallel_loop3A_859 : vector<16xi1>
        %parallel_loop3A_861 = vector.broadcast %parallel_loop3A_774 : f32 to vector<16xf32>
        %parallel_loop3A_862 = arith.subf %parallel_loop3A_861, %parallel_loop3A_314 : vector<16xf32>
        %parallel_loop3A_863 = vector.broadcast %parallel_loop3A_776 : f32 to vector<16xf32>
        %parallel_loop3A_864 = arith.subf %parallel_loop3A_863, %parallel_loop3A_338 : vector<16xf32>
        %parallel_loop3A_865 = vector.broadcast %parallel_loop3A_778 : f32 to vector<16xf32>
        %parallel_loop3A_866 = arith.subf %parallel_loop3A_865, %parallel_loop3A_362 : vector<16xf32>
        %parallel_loop3A_867 = arith.mulf %parallel_loop3A_862, %parallel_loop3A_862 : vector<16xf32>
        %parallel_loop3A_868 = arith.mulf %parallel_loop3A_864, %parallel_loop3A_864 : vector<16xf32>
        %parallel_loop3A_869 = arith.addf %parallel_loop3A_867, %parallel_loop3A_868 : vector<16xf32>
        %parallel_loop3A_870 = arith.mulf %parallel_loop3A_866, %parallel_loop3A_866 : vector<16xf32>
        %parallel_loop3A_871 = arith.addf %parallel_loop3A_869, %parallel_loop3A_870 : vector<16xf32>
        %parallel_loop3A_872 = arith.select %parallel_loop3A_860, %parallel_loop3A_871, %broadcast_in_dim3A_5 : vector<16xi1>, vector<16xf32>
        %parallel_loop3A_873 = tpu.bitcast %parallel_loop3A_872 : vector<16xf32> -> vector<16xi32>
        %parallel_loop3A_874 = arith.constant 1 : i32
        %parallel_loop3A_875 = vector.broadcast %parallel_loop3A_874 : i32 to vector<16xi32>
        %parallel_loop3A_876 = arith.shrui %parallel_loop3A_873, %parallel_loop3A_875 : vector<16xi32>
        %parallel_loop3A_877 = arith.constant 1597463007 : i32
        %parallel_loop3A_878 = vector.broadcast %parallel_loop3A_877 : i32 to vector<16xi32>
        %parallel_loop3A_879 = arith.subi %parallel_loop3A_878, %parallel_loop3A_876 : vector<16xi32>
        %parallel_loop3A_880 = tpu.bitcast %parallel_loop3A_879 : vector<16xi32> -> vector<16xf32>
        %parallel_loop3A_881 = arith.constant 5.000000e-01 : f32
        %parallel_loop3A_882 = vector.broadcast %parallel_loop3A_881 : f32 to vector<16xf32>
        %parallel_loop3A_883 = arith.mulf %parallel_loop3A_882, %parallel_loop3A_872 : vector<16xf32>
        %parallel_loop3A_884 = arith.mulf %parallel_loop3A_883, %parallel_loop3A_880 : vector<16xf32>
        %parallel_loop3A_885 = arith.mulf %parallel_loop3A_884, %parallel_loop3A_880 : vector<16xf32>
        %parallel_loop3A_886 = arith.constant 1.500000e+00 : f32
        %parallel_loop3A_887 = vector.broadcast %parallel_loop3A_886 : f32 to vector<16xf32>
        %parallel_loop3A_888 = arith.subf %parallel_loop3A_887, %parallel_loop3A_885 : vector<16xf32>
        %parallel_loop3A_889 = arith.mulf %parallel_loop3A_880, %parallel_loop3A_888 : vector<16xf32>
        %parallel_loop3A_890 = arith.mulf %parallel_loop3A_872, %parallel_loop3A_889 : vector<16xf32>
        %parallel_loop3A_891 = vector.broadcast %parallel_loop3A_780 : f32 to vector<16xf32>
        %parallel_loop3A_892 = arith.select %parallel_loop3A_860, %parallel_loop3A_891, %broadcast_in_dim3A_3 : vector<16xi1>, vector<16xf32>
        %parallel_loop3A_893 = arith.mulf %parallel_loop3A_892, %parallel_loop3A_889 : vector<16xf32>
        %parallel_loop3A_894 = arith.mulf %select_n3A_24, %parallel_loop3A_890 : vector<16xf32>
        %parallel_loop3A_895 = arith.constant 4.704700e-01 : f32
        %parallel_loop3A_896 = vector.broadcast %parallel_loop3A_895 : f32 to vector<16xf32>
        %parallel_loop3A_897 = arith.mulf %parallel_loop3A_896, %parallel_loop3A_894 : vector<16xf32>
        %parallel_loop3A_898 = arith.constant 1.000000e+00 : f32
        %parallel_loop3A_899 = vector.broadcast %parallel_loop3A_898 : f32 to vector<16xf32>
        %parallel_loop3A_900 = arith.addf %parallel_loop3A_899, %parallel_loop3A_897 : vector<16xf32>
        %parallel_loop3A_901 = arith.constant 1.000000e+00 : f32
        %parallel_loop3A_902 = vector.broadcast %parallel_loop3A_901 : f32 to vector<16xf32>
        %parallel_loop3A_903 = arith.divf %parallel_loop3A_902, %parallel_loop3A_900 : vector<16xf32>
        %parallel_loop3A_904 = arith.constant 0.747855603 : f32
        %parallel_loop3A_905 = vector.broadcast %parallel_loop3A_904 : f32 to vector<16xf32>
        %parallel_loop3A_906 = arith.mulf %parallel_loop3A_905, %parallel_loop3A_903 : vector<16xf32>
        %parallel_loop3A_907 = arith.constant -9.587980e-02 : f32
        %parallel_loop3A_908 = vector.broadcast %parallel_loop3A_907 : f32 to vector<16xf32>
        %parallel_loop3A_909 = arith.addf %parallel_loop3A_906, %parallel_loop3A_908 : vector<16xf32>
        %parallel_loop3A_910 = arith.mulf %parallel_loop3A_909, %parallel_loop3A_903 : vector<16xf32>
        %parallel_loop3A_911 = arith.constant 0.348024189 : f32
        %parallel_loop3A_912 = vector.broadcast %parallel_loop3A_911 : f32 to vector<16xf32>
        %parallel_loop3A_913 = arith.addf %parallel_loop3A_910, %parallel_loop3A_912 : vector<16xf32>
        %parallel_loop3A_914 = arith.mulf %parallel_loop3A_913, %parallel_loop3A_903 : vector<16xf32>
        %parallel_loop3A_915 = arith.constant 0.000000e+00 : f32
        %parallel_loop3A_916 = vector.broadcast %parallel_loop3A_915 : f32 to vector<16xf32>
        %parallel_loop3A_917 = arith.subf %parallel_loop3A_916, %mul3A_25 : vector<16xf32>
        %parallel_loop3A_918 = arith.mulf %parallel_loop3A_917, %parallel_loop3A_872 : vector<16xf32>
        %parallel_loop3A_919 = math.exp %parallel_loop3A_918 : vector<16xf32>
        %parallel_loop3A_920 = arith.mulf %parallel_loop3A_914, %parallel_loop3A_919 : vector<16xf32>
        %parallel_loop3A_921 = arith.constant 1.000000e+00 : f32
        %parallel_loop3A_922 = vector.broadcast %parallel_loop3A_921 : f32 to vector<16xf32>
        %parallel_loop3A_923 = arith.subf %parallel_loop3A_922, %parallel_loop3A_920 : vector<16xf32>
        %parallel_loop3A_924 = arith.mulf %parallel_loop3A_893, %parallel_loop3A_923 : vector<16xf32>
        %parallel_loop3A_925 = arith.constant 3 : i32
        %parallel_loop3A_926 = arith.addi %parallel_loop3A_455, %parallel_loop3A_925 : i32
        %parallel_loop3A_927 = vector.extract_strided_slice %parallel_loop3A_462 {offsets = [12], sizes = [1], strides = [1]} : vector<16xf32> to vector<1xf32>
        %parallel_loop3A_928 = vector.extract %parallel_loop3A_927[0] : f32 from vector<1xf32>
        %parallel_loop3A_929 = vector.extract_strided_slice %parallel_loop3A_462 {offsets = [13], sizes = [1], strides = [1]} : vector<16xf32> to vector<1xf32>
        %parallel_loop3A_930 = vector.extract %parallel_loop3A_929[0] : f32 from vector<1xf32>
        %parallel_loop3A_931 = vector.extract_strided_slice %parallel_loop3A_462 {offsets = [14], sizes = [1], strides = [1]} : vector<16xf32> to vector<1xf32>
        %parallel_loop3A_932 = vector.extract %parallel_loop3A_931[0] : f32 from vector<1xf32>
        %parallel_loop3A_933 = vector.extract_strided_slice %parallel_loop3A_462 {offsets = [15], sizes = [1], strides = [1]} : vector<16xf32> to vector<1xf32>
        %parallel_loop3A_934 = vector.extract %parallel_loop3A_933[0] : f32 from vector<1xf32>
        %parallel_loop3A_935 = vector.broadcast %parallel_loop3A_926 : i32 to vector<16xi32>
        %parallel_loop3A_936 = arith.cmpi sge, %parallel_loop3A_935, %parallel_loop3A_97 : vector<16xi32>
        %parallel_loop3A_937 = vector.broadcast %parallel_loop3A_926 : i32 to vector<16xi32>
        %parallel_loop3A_938 = arith.cmpi slt, %parallel_loop3A_937, %parallel_loop3A_121 : vector<16xi32>
        %parallel_loop3A_939 = arith.andi %parallel_loop3A_936, %parallel_loop3A_938 : vector<16xi1>
        %parallel_loop3A_940 = vector.broadcast %parallel_loop3A_926 : i32 to vector<16xi32>
        %parallel_loop3A_941 = arith.cmpi ne, %parallel_loop3A_940, %parallel_loop3A_191 : vector<16xi32>
        %parallel_loop3A_942 = arith.andi %parallel_loop3A_939, %parallel_loop3A_941 : vector<16xi1>
        %parallel_loop3A_943 = vector.broadcast %parallel_loop3A_928 : f32 to vector<16xf32>
        %parallel_loop3A_944 = arith.subf %parallel_loop3A_943, %parallel_loop3A_218 : vector<16xf32>
        %parallel_loop3A_945 = vector.broadcast %parallel_loop3A_930 : f32 to vector<16xf32>
        %parallel_loop3A_946 = arith.subf %parallel_loop3A_945, %parallel_loop3A_242 : vector<16xf32>
        %parallel_loop3A_947 = vector.broadcast %parallel_loop3A_932 : f32 to vector<16xf32>
        %parallel_loop3A_948 = arith.subf %parallel_loop3A_947, %parallel_loop3A_266 : vector<16xf32>
        %parallel_loop3A_949 = arith.mulf %parallel_loop3A_944, %parallel_loop3A_944 : vector<16xf32>
        %parallel_loop3A_950 = arith.mulf %parallel_loop3A_946, %parallel_loop3A_946 : vector<16xf32>
        %parallel_loop3A_951 = arith.addf %parallel_loop3A_949, %parallel_loop3A_950 : vector<16xf32>
        %parallel_loop3A_952 = arith.mulf %parallel_loop3A_948, %parallel_loop3A_948 : vector<16xf32>
        %parallel_loop3A_953 = arith.addf %parallel_loop3A_951, %parallel_loop3A_952 : vector<16xf32>
        %parallel_loop3A_954 = arith.select %parallel_loop3A_942, %parallel_loop3A_953, %broadcast_in_dim3A_5 : vector<16xi1>, vector<16xf32>
        %parallel_loop3A_955 = tpu.bitcast %parallel_loop3A_954 : vector<16xf32> -> vector<16xi32>
        %parallel_loop3A_956 = arith.constant 1 : i32
        %parallel_loop3A_957 = vector.broadcast %parallel_loop3A_956 : i32 to vector<16xi32>
        %parallel_loop3A_958 = arith.shrui %parallel_loop3A_955, %parallel_loop3A_957 : vector<16xi32>
        %parallel_loop3A_959 = arith.constant 1597463007 : i32
        %parallel_loop3A_960 = vector.broadcast %parallel_loop3A_959 : i32 to vector<16xi32>
        %parallel_loop3A_961 = arith.subi %parallel_loop3A_960, %parallel_loop3A_958 : vector<16xi32>
        %parallel_loop3A_962 = tpu.bitcast %parallel_loop3A_961 : vector<16xi32> -> vector<16xf32>
        %parallel_loop3A_963 = arith.constant 5.000000e-01 : f32
        %parallel_loop3A_964 = vector.broadcast %parallel_loop3A_963 : f32 to vector<16xf32>
        %parallel_loop3A_965 = arith.mulf %parallel_loop3A_964, %parallel_loop3A_954 : vector<16xf32>
        %parallel_loop3A_966 = arith.mulf %parallel_loop3A_965, %parallel_loop3A_962 : vector<16xf32>
        %parallel_loop3A_967 = arith.mulf %parallel_loop3A_966, %parallel_loop3A_962 : vector<16xf32>
        %parallel_loop3A_968 = arith.constant 1.500000e+00 : f32
        %parallel_loop3A_969 = vector.broadcast %parallel_loop3A_968 : f32 to vector<16xf32>
        %parallel_loop3A_970 = arith.subf %parallel_loop3A_969, %parallel_loop3A_967 : vector<16xf32>
        %parallel_loop3A_971 = arith.mulf %parallel_loop3A_962, %parallel_loop3A_970 : vector<16xf32>
        %parallel_loop3A_972 = arith.mulf %parallel_loop3A_954, %parallel_loop3A_971 : vector<16xf32>
        %parallel_loop3A_973 = vector.broadcast %parallel_loop3A_934 : f32 to vector<16xf32>
        %parallel_loop3A_974 = arith.select %parallel_loop3A_942, %parallel_loop3A_973, %broadcast_in_dim3A_3 : vector<16xi1>, vector<16xf32>
        %parallel_loop3A_975 = arith.mulf %parallel_loop3A_974, %parallel_loop3A_971 : vector<16xf32>
        %parallel_loop3A_976 = arith.mulf %select_n3A_24, %parallel_loop3A_972 : vector<16xf32>
        %parallel_loop3A_977 = arith.constant 4.704700e-01 : f32
        %parallel_loop3A_978 = vector.broadcast %parallel_loop3A_977 : f32 to vector<16xf32>
        %parallel_loop3A_979 = arith.mulf %parallel_loop3A_978, %parallel_loop3A_976 : vector<16xf32>
        %parallel_loop3A_980 = arith.constant 1.000000e+00 : f32
        %parallel_loop3A_981 = vector.broadcast %parallel_loop3A_980 : f32 to vector<16xf32>
        %parallel_loop3A_982 = arith.addf %parallel_loop3A_981, %parallel_loop3A_979 : vector<16xf32>
        %parallel_loop3A_983 = arith.constant 1.000000e+00 : f32
        %parallel_loop3A_984 = vector.broadcast %parallel_loop3A_983 : f32 to vector<16xf32>
        %parallel_loop3A_985 = arith.divf %parallel_loop3A_984, %parallel_loop3A_982 : vector<16xf32>
        %parallel_loop3A_986 = arith.constant 0.747855603 : f32
        %parallel_loop3A_987 = vector.broadcast %parallel_loop3A_986 : f32 to vector<16xf32>
        %parallel_loop3A_988 = arith.mulf %parallel_loop3A_987, %parallel_loop3A_985 : vector<16xf32>
        %parallel_loop3A_989 = arith.constant -9.587980e-02 : f32
        %parallel_loop3A_990 = vector.broadcast %parallel_loop3A_989 : f32 to vector<16xf32>
        %parallel_loop3A_991 = arith.addf %parallel_loop3A_988, %parallel_loop3A_990 : vector<16xf32>
        %parallel_loop3A_992 = arith.mulf %parallel_loop3A_991, %parallel_loop3A_985 : vector<16xf32>
        %parallel_loop3A_993 = arith.constant 0.348024189 : f32
        %parallel_loop3A_994 = vector.broadcast %parallel_loop3A_993 : f32 to vector<16xf32>
        %parallel_loop3A_995 = arith.addf %parallel_loop3A_992, %parallel_loop3A_994 : vector<16xf32>
        %parallel_loop3A_996 = arith.mulf %parallel_loop3A_995, %parallel_loop3A_985 : vector<16xf32>
        %parallel_loop3A_997 = arith.constant 0.000000e+00 : f32
        %parallel_loop3A_998 = vector.broadcast %parallel_loop3A_997 : f32 to vector<16xf32>
        %parallel_loop3A_999 = arith.subf %parallel_loop3A_998, %mul3A_25 : vector<16xf32>
        %parallel_loop3A_1000 = arith.mulf %parallel_loop3A_999, %parallel_loop3A_954 : vector<16xf32>
        %parallel_loop3A_1001 = math.exp %parallel_loop3A_1000 : vector<16xf32>
        %parallel_loop3A_1002 = arith.mulf %parallel_loop3A_996, %parallel_loop3A_1001 : vector<16xf32>
        %parallel_loop3A_1003 = arith.constant 1.000000e+00 : f32
        %parallel_loop3A_1004 = vector.broadcast %parallel_loop3A_1003 : f32 to vector<16xf32>
        %parallel_loop3A_1005 = arith.subf %parallel_loop3A_1004, %parallel_loop3A_1002 : vector<16xf32>
        %parallel_loop3A_1006 = arith.mulf %parallel_loop3A_975, %parallel_loop3A_1005 : vector<16xf32>
        %parallel_loop3A_1007 = vector.broadcast %parallel_loop3A_926 : i32 to vector<16xi32>
        %parallel_loop3A_1008 = arith.cmpi sge, %parallel_loop3A_1007, %parallel_loop3A_145 : vector<16xi32>
        %parallel_loop3A_1009 = vector.broadcast %parallel_loop3A_926 : i32 to vector<16xi32>
        %parallel_loop3A_1010 = arith.cmpi slt, %parallel_loop3A_1009, %parallel_loop3A_169 : vector<16xi32>
        %parallel_loop3A_1011 = arith.andi %parallel_loop3A_1008, %parallel_loop3A_1010 : vector<16xi1>
        %parallel_loop3A_1012 = vector.broadcast %parallel_loop3A_926 : i32 to vector<16xi32>
        %parallel_loop3A_1013 = arith.cmpi ne, %parallel_loop3A_1012, %parallel_loop3A_194 : vector<16xi32>
        %parallel_loop3A_1014 = arith.andi %parallel_loop3A_1011, %parallel_loop3A_1013 : vector<16xi1>
        %parallel_loop3A_1015 = vector.broadcast %parallel_loop3A_928 : f32 to vector<16xf32>
        %parallel_loop3A_1016 = arith.subf %parallel_loop3A_1015, %parallel_loop3A_314 : vector<16xf32>
        %parallel_loop3A_1017 = vector.broadcast %parallel_loop3A_930 : f32 to vector<16xf32>
        %parallel_loop3A_1018 = arith.subf %parallel_loop3A_1017, %parallel_loop3A_338 : vector<16xf32>
        %parallel_loop3A_1019 = vector.broadcast %parallel_loop3A_932 : f32 to vector<16xf32>
        %parallel_loop3A_1020 = arith.subf %parallel_loop3A_1019, %parallel_loop3A_362 : vector<16xf32>
        %parallel_loop3A_1021 = arith.mulf %parallel_loop3A_1016, %parallel_loop3A_1016 : vector<16xf32>
        %parallel_loop3A_1022 = arith.mulf %parallel_loop3A_1018, %parallel_loop3A_1018 : vector<16xf32>
        %parallel_loop3A_1023 = arith.addf %parallel_loop3A_1021, %parallel_loop3A_1022 : vector<16xf32>
        %parallel_loop3A_1024 = arith.mulf %parallel_loop3A_1020, %parallel_loop3A_1020 : vector<16xf32>
        %parallel_loop3A_1025 = arith.addf %parallel_loop3A_1023, %parallel_loop3A_1024 : vector<16xf32>
        %parallel_loop3A_1026 = arith.select %parallel_loop3A_1014, %parallel_loop3A_1025, %broadcast_in_dim3A_5 : vector<16xi1>, vector<16xf32>
        %parallel_loop3A_1027 = tpu.bitcast %parallel_loop3A_1026 : vector<16xf32> -> vector<16xi32>
        %parallel_loop3A_1028 = arith.constant 1 : i32
        %parallel_loop3A_1029 = vector.broadcast %parallel_loop3A_1028 : i32 to vector<16xi32>
        %parallel_loop3A_1030 = arith.shrui %parallel_loop3A_1027, %parallel_loop3A_1029 : vector<16xi32>
        %parallel_loop3A_1031 = arith.constant 1597463007 : i32
        %parallel_loop3A_1032 = vector.broadcast %parallel_loop3A_1031 : i32 to vector<16xi32>
        %parallel_loop3A_1033 = arith.subi %parallel_loop3A_1032, %parallel_loop3A_1030 : vector<16xi32>
        %parallel_loop3A_1034 = tpu.bitcast %parallel_loop3A_1033 : vector<16xi32> -> vector<16xf32>
        %parallel_loop3A_1035 = arith.constant 5.000000e-01 : f32
        %parallel_loop3A_1036 = vector.broadcast %parallel_loop3A_1035 : f32 to vector<16xf32>
        %parallel_loop3A_1037 = arith.mulf %parallel_loop3A_1036, %parallel_loop3A_1026 : vector<16xf32>
        %parallel_loop3A_1038 = arith.mulf %parallel_loop3A_1037, %parallel_loop3A_1034 : vector<16xf32>
        %parallel_loop3A_1039 = arith.mulf %parallel_loop3A_1038, %parallel_loop3A_1034 : vector<16xf32>
        %parallel_loop3A_1040 = arith.constant 1.500000e+00 : f32
        %parallel_loop3A_1041 = vector.broadcast %parallel_loop3A_1040 : f32 to vector<16xf32>
        %parallel_loop3A_1042 = arith.subf %parallel_loop3A_1041, %parallel_loop3A_1039 : vector<16xf32>
        %parallel_loop3A_1043 = arith.mulf %parallel_loop3A_1034, %parallel_loop3A_1042 : vector<16xf32>
        %parallel_loop3A_1044 = arith.mulf %parallel_loop3A_1026, %parallel_loop3A_1043 : vector<16xf32>
        %parallel_loop3A_1045 = vector.broadcast %parallel_loop3A_934 : f32 to vector<16xf32>
        %parallel_loop3A_1046 = arith.select %parallel_loop3A_1014, %parallel_loop3A_1045, %broadcast_in_dim3A_3 : vector<16xi1>, vector<16xf32>
        %parallel_loop3A_1047 = arith.mulf %parallel_loop3A_1046, %parallel_loop3A_1043 : vector<16xf32>
        %parallel_loop3A_1048 = arith.mulf %select_n3A_24, %parallel_loop3A_1044 : vector<16xf32>
        %parallel_loop3A_1049 = arith.constant 4.704700e-01 : f32
        %parallel_loop3A_1050 = vector.broadcast %parallel_loop3A_1049 : f32 to vector<16xf32>
        %parallel_loop3A_1051 = arith.mulf %parallel_loop3A_1050, %parallel_loop3A_1048 : vector<16xf32>
        %parallel_loop3A_1052 = arith.constant 1.000000e+00 : f32
        %parallel_loop3A_1053 = vector.broadcast %parallel_loop3A_1052 : f32 to vector<16xf32>
        %parallel_loop3A_1054 = arith.addf %parallel_loop3A_1053, %parallel_loop3A_1051 : vector<16xf32>
        %parallel_loop3A_1055 = arith.constant 1.000000e+00 : f32
        %parallel_loop3A_1056 = vector.broadcast %parallel_loop3A_1055 : f32 to vector<16xf32>
        %parallel_loop3A_1057 = arith.divf %parallel_loop3A_1056, %parallel_loop3A_1054 : vector<16xf32>
        %parallel_loop3A_1058 = arith.constant 0.747855603 : f32
        %parallel_loop3A_1059 = vector.broadcast %parallel_loop3A_1058 : f32 to vector<16xf32>
        %parallel_loop3A_1060 = arith.mulf %parallel_loop3A_1059, %parallel_loop3A_1057 : vector<16xf32>
        %parallel_loop3A_1061 = arith.constant -9.587980e-02 : f32
        %parallel_loop3A_1062 = vector.broadcast %parallel_loop3A_1061 : f32 to vector<16xf32>
        %parallel_loop3A_1063 = arith.addf %parallel_loop3A_1060, %parallel_loop3A_1062 : vector<16xf32>
        %parallel_loop3A_1064 = arith.mulf %parallel_loop3A_1063, %parallel_loop3A_1057 : vector<16xf32>
        %parallel_loop3A_1065 = arith.constant 0.348024189 : f32
        %parallel_loop3A_1066 = vector.broadcast %parallel_loop3A_1065 : f32 to vector<16xf32>
        %parallel_loop3A_1067 = arith.addf %parallel_loop3A_1064, %parallel_loop3A_1066 : vector<16xf32>
        %parallel_loop3A_1068 = arith.mulf %parallel_loop3A_1067, %parallel_loop3A_1057 : vector<16xf32>
        %parallel_loop3A_1069 = arith.constant 0.000000e+00 : f32
        %parallel_loop3A_1070 = vector.broadcast %parallel_loop3A_1069 : f32 to vector<16xf32>
        %parallel_loop3A_1071 = arith.subf %parallel_loop3A_1070, %mul3A_25 : vector<16xf32>
        %parallel_loop3A_1072 = arith.mulf %parallel_loop3A_1071, %parallel_loop3A_1026 : vector<16xf32>
        %parallel_loop3A_1073 = math.exp %parallel_loop3A_1072 : vector<16xf32>
        %parallel_loop3A_1074 = arith.mulf %parallel_loop3A_1068, %parallel_loop3A_1073 : vector<16xf32>
        %parallel_loop3A_1075 = arith.constant 1.000000e+00 : f32
        %parallel_loop3A_1076 = vector.broadcast %parallel_loop3A_1075 : f32 to vector<16xf32>
        %parallel_loop3A_1077 = arith.subf %parallel_loop3A_1076, %parallel_loop3A_1074 : vector<16xf32>
        %parallel_loop3A_1078 = arith.mulf %parallel_loop3A_1047, %parallel_loop3A_1077 : vector<16xf32>
        %parallel_loop3A_1079 = arith.addf %parallel_loop3A_544, %parallel_loop3A_698 : vector<16xf32>
        %parallel_loop3A_1080 = arith.addf %parallel_loop3A_852, %parallel_loop3A_1006 : vector<16xf32>
        %parallel_loop3A_1081 = arith.addf %parallel_loop3A_616, %parallel_loop3A_770 : vector<16xf32>
        %parallel_loop3A_1082 = arith.addf %parallel_loop3A_924, %parallel_loop3A_1078 : vector<16xf32>
        %parallel_loop3A_1083 = arith.addf %parallel_loop3A_1079, %parallel_loop3A_1080 : vector<16xf32>
        %parallel_loop3A_1084 = arith.addf %parallel_loop3A_1081, %parallel_loop3A_1082 : vector<16xf32>
        %parallel_loop3A_1085 = arith.addf %parallel_loop3A_456, %parallel_loop3A_1083 : vector<16xf32>
        %parallel_loop3A_1086 = arith.addf %parallel_loop3A_457, %parallel_loop3A_1084 : vector<16xf32>
        scf.yield %parallel_loop3A_1085, %parallel_loop3A_1086 : vector<16xf32>, vector<16xf32>
      } {sc.loop_unroll_factor = 1 : i64, sc.parallel_access}
      %parallel_loop3A_419 = arith.constant 14.3996458 : f32
      %parallel_loop3A_420 = vector.broadcast %parallel_loop3A_419 : f32 to vector<16xf32>
      %parallel_loop3A_421 = arith.mulf %parallel_loop3A_418#0, %parallel_loop3A_420 : vector<16xf32>
      %parallel_loop3A_422 = arith.constant 32 : i32
      %parallel_loop3A_423 = arith.muli %parallel_loop3A_52, %parallel_loop3A_422 : i32
      %parallel_loop3A_424 = arith.index_cast %parallel_loop3A_423 : i32 to index
      %parallel_loop3A_425 = tpu.vector_load %arg10[%parallel_loop3A_424] {strides = array<i32>} : memref<1280xf32, #tpu.memory_space<vmem>>, vector<16xf32>,
      %parallel_loop3A_426 = vector.shape_cast %parallel_loop3A_425 : vector<16xf32> to vector<16xf32>
      %parallel_loop3A_427 = vector.shape_cast %parallel_loop3A_421 : vector<16xf32> to vector<16xf32>
      tpu.vector_store %arg10[%parallel_loop3A_424], %parallel_loop3A_427 {strides = array<i32>} : memref<1280xf32, #tpu.memory_space<vmem>>, vector<16xf32>,
      %parallel_loop3A_428 = arith.constant 14.3996458 : f32
      %parallel_loop3A_429 = vector.broadcast %parallel_loop3A_428 : f32 to vector<16xf32>
      %parallel_loop3A_430 = arith.mulf %parallel_loop3A_418#1, %parallel_loop3A_429 : vector<16xf32>
      %parallel_loop3A_431 = arith.constant 32 : i32
      %parallel_loop3A_432 = arith.muli %parallel_loop3A_52, %parallel_loop3A_431 : i32
      %parallel_loop3A_433 = arith.constant 16 : i32
      %parallel_loop3A_434 = arith.addi %parallel_loop3A_432, %parallel_loop3A_433 : i32
      %parallel_loop3A_435 = arith.index_cast %parallel_loop3A_434 : i32 to index
      %parallel_loop3A_436 = tpu.vector_load %arg10[%parallel_loop3A_435] {strides = array<i32>} : memref<1280xf32, #tpu.memory_space<vmem>>, vector<16xf32>,
      %parallel_loop3A_437 = vector.shape_cast %parallel_loop3A_436 : vector<16xf32> to vector<16xf32>
      %parallel_loop3A_438 = vector.shape_cast %parallel_loop3A_430 : vector<16xf32> to vector<16xf32>
      tpu.vector_store %arg10[%parallel_loop3A_435], %parallel_loop3A_438 {strides = array<i32>} : memref<1280xf32, #tpu.memory_space<vmem>>, vector<16xf32>,
      %parallel_loop3A_439 = arith.mulf %parallel_loop3A_290, %select_n3A_45 : vector<16xf32>
      %parallel_loop3A_440 = arith.constant 32 : i32
      %parallel_loop3A_441 = arith.muli %parallel_loop3A_52, %parallel_loop3A_440 : i32
      %parallel_loop3A_442 = arith.index_cast %parallel_loop3A_441 : i32 to index
      %parallel_loop3A_443 = tpu.vector_load %arg11[%parallel_loop3A_442] {strides = array<i32>} : memref<1280xf32, #tpu.memory_space<vmem>>, vector<16xf32>,
      %parallel_loop3A_444 = vector.shape_cast %parallel_loop3A_443 : vector<16xf32> to vector<16xf32>
      %parallel_loop3A_445 = vector.shape_cast %parallel_loop3A_439 : vector<16xf32> to vector<16xf32>
      tpu.vector_store %arg11[%parallel_loop3A_442], %parallel_loop3A_445 {strides = array<i32>} : memref<1280xf32, #tpu.memory_space<vmem>>, vector<16xf32>,
      %parallel_loop3A_446 = arith.mulf %parallel_loop3A_386, %select_n3A_45 : vector<16xf32>
      %parallel_loop3A_447 = arith.constant 32 : i32
      %parallel_loop3A_448 = arith.muli %parallel_loop3A_52, %parallel_loop3A_447 : i32
      %parallel_loop3A_449 = arith.constant 16 : i32
      %parallel_loop3A_450 = arith.addi %parallel_loop3A_448, %parallel_loop3A_449 : i32
      %parallel_loop3A_451 = arith.index_cast %parallel_loop3A_450 : i32 to index
      %parallel_loop3A_452 = tpu.vector_load %arg11[%parallel_loop3A_451] {strides = array<i32>} : memref<1280xf32, #tpu.memory_space<vmem>>, vector<16xf32>,
      %parallel_loop3A_453 = vector.shape_cast %parallel_loop3A_452 : vector<16xf32> to vector<16xf32>
      %parallel_loop3A_454 = vector.shape_cast %parallel_loop3A_446 : vector<16xf32> to vector<16xf32>
      tpu.vector_store %arg11[%parallel_loop3A_451], %parallel_loop3A_454 {strides = array<i32>} : memref<1280xf32, #tpu.memory_space<vmem>>, vector<16xf32>,
    } {sc.loop_unroll_factor = 1 : i64, sc.parallel_access}
    %mul3A_48 = arith.constant 4 : i32
    %mul3A_49 = arith.muli %mul3A_2, %mul3A_48 : i32
    "tpu.region"() ({
      %run_scoped3A = tpu.sem_alloc : memref<!tpu.dma_semaphore, #tpu.memory_space<semaphore_mem>>
      %dma_start3A = tpu.memref_slice %arg5[%mul3A_49] : memref<40960xf32, #tpu.memory_space<hbm>> -> memref<1280xf32, #tpu.memory_space<hbm>>
      %dma_start3A_52 = tpu.memref_slice %arg5[%mul3A_49] : memref<40960xf32, #tpu.memory_space<hbm>> -> memref<1280xf32, #tpu.memory_space<hbm>>
      tpu.enqueue_dma source(%arg10 : memref<1280xf32, #tpu.memory_space<vmem>>) target(%dma_start3A_52 : memref<1280xf32, #tpu.memory_space<hbm>>) target_semaphore(%run_scoped3A : memref<!tpu.dma_semaphore, #tpu.memory_space<semaphore_mem>>)
      %dma_wait3A = tpu.memref_slice %arg5[%mul3A_49] : memref<40960xf32, #tpu.memory_space<hbm>> -> memref<1280xf32, #tpu.memory_space<hbm>>
      %dma_wait3A_53 = tpu.memref_slice %arg5[%mul3A_49] : memref<40960xf32, #tpu.memory_space<hbm>> -> memref<1280xf32, #tpu.memory_space<hbm>>
      tpu.wait_dma2 semaphore(%run_scoped3A : memref<!tpu.dma_semaphore, #tpu.memory_space<semaphore_mem>>) src(%arg10 : memref<1280xf32, #tpu.memory_space<vmem>>) dst(%dma_wait3A_53 : memref<1280xf32, #tpu.memory_space<hbm>>)
      tpu.yield
    }) : () -> ()
    %mul3A_50 = arith.constant 4 : i32
    %mul3A_51 = arith.muli %mul3A_2, %mul3A_50 : i32
    "tpu.region"() ({
      %run_scoped3A = tpu.sem_alloc : memref<!tpu.dma_semaphore, #tpu.memory_space<semaphore_mem>>
      %dma_start3A = tpu.memref_slice %arg6[%mul3A_51] : memref<40960xf32, #tpu.memory_space<hbm>> -> memref<1280xf32, #tpu.memory_space<hbm>>
      %dma_start3A_52 = tpu.memref_slice %arg6[%mul3A_51] : memref<40960xf32, #tpu.memory_space<hbm>> -> memref<1280xf32, #tpu.memory_space<hbm>>
      tpu.enqueue_dma source(%arg11 : memref<1280xf32, #tpu.memory_space<vmem>>) target(%dma_start3A_52 : memref<1280xf32, #tpu.memory_space<hbm>>) target_semaphore(%run_scoped3A : memref<!tpu.dma_semaphore, #tpu.memory_space<semaphore_mem>>)
      %dma_wait3A = tpu.memref_slice %arg6[%mul3A_51] : memref<40960xf32, #tpu.memory_space<hbm>> -> memref<1280xf32, #tpu.memory_space<hbm>>
      %dma_wait3A_53 = tpu.memref_slice %arg6[%mul3A_51] : memref<40960xf32, #tpu.memory_space<hbm>> -> memref<1280xf32, #tpu.memory_space<hbm>>
      tpu.wait_dma2 semaphore(%run_scoped3A : memref<!tpu.dma_semaphore, #tpu.memory_space<semaphore_mem>>) src(%arg11 : memref<1280xf32, #tpu.memory_space<vmem>>) dst(%dma_wait3A_53 : memref<1280xf32, #tpu.memory_space<hbm>>)
      tpu.yield
    }) : () -> ()
    return
  }
}

</mosaic_0001>

<sc_bundles>
// kernel: _sc_call.3.cloned.1.call-start
scs
__scs_entry_jumppad:
0x0: {  	(pc) =	sbr.rel $0x88, $3  }
0x1: {  	(tag) =	ssettag $0x0;
	lr =	simm.s32 $0x1  }
0x2: {  	[smem:$0x3F9E] =	sst lr;
	_ =	strace $0xD0000000  }
0x3: {  	_ = 	snop  }
0x4: {  	_ = 	snop  }
0x5: {  	_ = 	snop  }
0x6: {  	_ = 	snop  }
0x7: {  	_ = 	snop  }
__scs_overlays_trampoline_lowered:
0x8: {  	[smem:$0x3FAD] =	sst s0  }
0x9: {  	[smem:$0x3FAE] =	sst s1  }
0xa: {  	[smem:$0x3FAF] =	sst s2  }
0xb: {  	[smem:$0x3FB0] =	sst s3  }
0xc: {  	[smem:$0x3FB1] =	sst s4  }
0xd: {  	[smem:$0x3FB2] =	sst s5  }
0xe: {  	[smem:$0x3FB3] =	sst s6  }
0xf: {  	[smem:$0x3FB4] =	sst s7  }
0x10: {  	[smem:$0x3FB5] =	sst s8  }
0x11: {  	[smem:$0x3FB6] =	sst s9;
	s0 =	simm.s32 @!p0 $0x0  }
0x12: {  	s1 =	sld [smem:$0x3F9C];
	s0 =	simm.s32 @p0 $0x1  }
0x13: {  	[smem:$0x3FB7] =	sst s0;
	s0 =	simm.s32 @!p1 $0x0  }
0x14: {  	s2 =	sld [smem:$0x3F9B];
	s0 =	simm.s32 @p1 $0x1  }
0x15: {  	[smem:$0x3FB8] =	sst s0;
	s0 =	simm.s32 @!p2 $0x0  }
0x16: {  	s3 =	sld [smem:$0x3FDB];
	s0 =	simm.s32 @p2 $0x1  }
0x17: {  	s4 =	simm.s32 $0x1BF5;
	[smem:$0x3FBA] =	sst s0  }
0x18: {  	s0 =	sld [smem:$0x3F9D];
	_ =	swait.ge [sflag:s4], $0x0  }
0x19: {  	s7 =	sld [smem:$0x3F9E]  }
0x1a: {  	s8 =	sadd.s32 $0xFFFFE003, lr  }
0x1b: {  	s9 =	sadd.s32 $0xFFFFFEF7, lr;
	s5 =	simm.s32 $0xFFFFFFFF;
	p2 =	slt.u32 s8, $0xFFFFF086  }
0x1c: {  	p1 =	slt.u32 s9, $0xF7A;
	s5 =	simm.s32 @!p2 $0x0  }
0x1d: {  	s5 =	simm.s32 @p1 $0x1;
	p0 =	seq.s32 s7, s2  }
0x1e: {  	s7 =	smul.u32 @!p0 $0xF7A, s2;
	p2 =	seq.s32 @!p0 s5, $0x0  }
0x1f: {  	s9 =	smul.u32 $0xF7A, s1;
	s8 =	simm.s32 @!p0 $0x1BF5;
	p2 =	por !p2, p0  }
0x20: {  	[sflag:s8] =	ssyncset.s32 @!p0 $0xFFFFF086;
	s6 =	sadd.s32 @!p0 s3, s7;
	s7 =	simm.s32 @!p0 $0x108  }
0x21: {  	s3 =	sadd.s32 s3, s9;
	s6 =	sadd.s32 @!p0 $0x88, s6;
	s7 =	simm.s32 @p2 $0x1082  }
0x22: {  	[simem:s7], [sflag:s8] =	dma.local @!p0 [hbm:s6], $0xF7A  }
0x23: {  	s9 =	sor.u32 $0xD0000000, s2;
	s6 =	simm.s32 $0x108;
	_ =	swait.ge @!p0 [sflag:s8], $0x0  }
0x24: {  	s3 =	sadd.s32 $0x88, s3;
	s6 =	simm.s32 @!p1 $0x1082;
	[sflag:s4] =	ssyncset.s32 $0xFFFFF086  }
0x25: {  	[simem:s6], [sflag:s4] =	dma.local [hbm:s3], $0xF7A  }
0x26: {  	[smem:$0x3F9E] =	sst s1;
	(tag) =	ssettag s2;
	_ =	strace s9  }
0x27: {  	s1 =	sld [smem:$0x3FAE]  }
0x28: {  	s2 =	sld [smem:$0x3FAF]  }
0x29: {  	s4 =	sld [smem:$0x3FB1]  }
0x2a: {  	p0 =	seq.s32 s5, $0x0;
	s5 =	sld [smem:$0x3FB2]  }
0x2b: {  	s6 =	sld [smem:$0x3FB3]  }
0x2c: {  	s7 =	sld [smem:$0x3FB4]  }
0x2d: {  	s3 =	simm.s32 $0x108;
	s8 =	sld [smem:$0x3FB5]  }
0x2e: {  	s3 =	simm.s32 @!p0 $0x1082;
	s9 =	sld [smem:$0x3FB6]  }
0x2f: {  	lr =	sadd.s32 s0, s3;
	s0 =	sld [smem:$0x3FAD]  }
0x30: {  	s3 =	sld [smem:$0x3FB0]  }
0x31: {  	[smem:$0x3FB9] =	sst s10  }
0x32: {  	s10 =	sld [smem:$0x3FB7];
	_ =	sdelay $0x3  }
0x33: {  	p0 =	seq.s32 s10, $0x1;
	s10 =	sld [smem:$0x3FB9];
	_ =	sdelay $0x3  }
0x34: {  	[smem:$0x3FB9] =	sst s10  }
0x35: {  	s10 =	sld [smem:$0x3FB8];
	_ =	sdelay $0x3  }
0x36: {  	p1 =	seq.s32 s10, $0x1;
	s10 =	sld [smem:$0x3FB9];
	_ =	sdelay $0x3  }
0x37: {  	[smem:$0x3FB9] =	sst s10  }
0x38: {  	s10 =	sld [smem:$0x3FBA]  }
0x39: {  	_ = 	snop;
	(pc) =	sbr.ind lr, $3  }
0x3a: {  	_ = 	snop  }
0x3b: {  	_ = 	snop  }
0x3c: {  	p2 =	seq.s32 s10, $0x1;
	s10 =	sld [smem:$0x3FB9]  }
0x3d: {  	_ =	shalt  }
0x3e: {  	_ =	shalt  }
0x3f: {  	_ =	shalt  }
0x40: {  	_ =	shalt  }
0x41: {  	_ =	shalt  }
0x42: {  	_ =	shalt  }
0x43: {  	_ =	shalt  }
0x44: {  	_ =	shalt  }
0x45: {  	_ =	shalt  }
0x46: {  	_ =	shalt  }
0x47: {  	_ =	shalt  }
0x48: {  	_ =	shalt  }
0x49: {  	_ =	shalt  }
0x4a: {  	_ =	shalt  }
0x4b: {  	_ =	shalt  }
0x4c: {  	_ =	shalt  }
0x4d: {  	_ =	shalt  }
0x4e: {  	_ =	shalt  }
0x4f: {  	_ =	shalt  }
0x50: {  	_ =	shalt  }
0x51: {  	_ =	shalt  }
0x52: {  	_ =	shalt  }
0x53: {  	_ =	shalt  }
0x54: {  	_ =	shalt  }
0x55: {  	_ =	shalt  }
0x56: {  	_ =	shalt  }
0x57: {  	_ =	shalt  }
0x58: {  	_ =	shalt  }
0x59: {  	_ =	shalt  }
0x5a: {  	_ =	shalt  }
0x5b: {  	_ =	shalt  }
0x5c: {  	_ =	shalt  }
0x5d: {  	_ =	shalt  }
0x5e: {  	_ =	shalt  }
0x5f: {  	_ =	shalt  }
0x60: {  	_ =	shalt  }
0x61: {  	_ =	shalt  }
0x62: {  	_ =	shalt  }
0x63: {  	_ =	shalt  }
0x64: {  	_ =	shalt  }
0x65: {  	_ =	shalt  }
0x66: {  	_ =	shalt  }
0x67: {  	_ =	shalt  }
0x68: {  	_ =	shalt  }
0x69: {  	_ =	shalt  }
0x6a: {  	_ =	shalt  }
0x6b: {  	_ =	shalt  }
0x6c: {  	_ =	shalt  }
0x6d: {  	_ =	shalt  }
0x6e: {  	_ =	shalt  }
0x6f: {  	_ =	shalt  }
0x70: {  	_ =	shalt  }
0x71: {  	_ =	shalt  }
0x72: {  	_ =	shalt  }
0x73: {  	_ =	shalt  }
0x74: {  	_ =	shalt  }
0x75: {  	_ =	shalt  }
0x76: {  	_ =	shalt  }
0x77: {  	_ =	shalt  }
0x78: {  	_ =	shalt  }
0x79: {  	_ =	shalt  }
0x7a: {  	_ =	shalt  }
0x7b: {  	_ =	shalt  }
0x7c: {  	_ =	shalt  }
0x7d: {  	_ =	shalt  }
0x7e: {  	_ =	shalt  }
0x7f: {  	_ =	shalt  }
0x80: {  	_ =	shalt  }
0x81: {  	_ =	shalt  }
0x82: {  	_ =	shalt  }
0x83: {  	_ =	shalt  }
0x84: {  	_ =	shalt  }
0x85: {  	_ =	shalt  }
0x86: {  	_ =	shalt  }
0x87: {  	_ =	shalt  }
.Lfunc_end0:
.L_simem_size_0:
called_computation_lowered:
.L_overlay_start_0:
0x88: {  	s2 =	sld [smem:$0x3FD9]  }
0x89: {  	s3 =	sld [smem:$0x3FFE];
	_ =	sdelay $0x1  }
0x8a: {  	s1 =	srdreg.scid  }
0x8b: {  	s0 =	sand.u32 $0x1, s1  }
0x8c: {  	s15 =	sshll.u32 s0, $0xA;
	s2 =	sadd.s32 s3, s2  }
0x8d: {  	s2 =	sadd.s32 s2, s15  }
0x8e: {  	[smem:$0x3FC5] =	sst s2  }
0x8f: {  	_ = 	snop  }
0x90: {  	s2 =	sld [smem:$0x3FD0]  }
0x91: {  	s16 =	sld [smem:$0x3FC9]  }
0x92: {  	s4 =	sld [smem:$0x3FC8]  }
0x93: {  	s6 =	simm.s32 $0xA;
	s7 =	simm.s32 $0x10;
	s5 =	sld [smem:$0x3FC7]  }
0x94: {  	[smem:s7], [sflag:s6] =	dma.local [hbm:s2], $0x1  }
0x95: {  	_ =	swait.eq [sflag:s6], $0x1  }
0x96: {  	[sflag:s6] =	ssyncset.done $0x0  }
0x97: {  	s17 =	sld [smem:$0x10];
	[sflag:s6] =	ssyncadd.s32 $0xFFFFFFFF  }
0x98: {  	s18 =	sld [smem:$0x11];
	(tm) =	ssettm $0x1  }
0x99: {  	s19 =	sld [smem:$0x3FFB];
	_ =	sdelay $0x3  }
0x9a: {  	_ =	strace s19  }
0x9b: {  	s7 =	sld [smem:$0x3FFC];
	_ =	sdelay $0x3  }
0x9c: {  	_ =	strace s7  }
0x9d: {  	s7 =	sld [smem:$0x3FFD];
	_ =	sdelay $0x3  }
0x9e: {  	_ =	strace s7  }
0x9f: {  	_ =	strace $0x8FFFFFFF  }
0xa0: {  	s20 =	sld [smem:$0x3FDB];
	_ =	sdelay $0x1  }
0xa1: {  	s8 =	simm.s32 $_scs_section_size  }
0xa2: {  	s9 =	simm.s32 $_size__tile_overlayer_lowered;
	s10 =	simm.s32 $_tile_overlayer_lowered  }
0xa3: {  	s23 =	simm.s32 $0x1BFF;
	s22 =	sshll.u32 s10, $0x1;
	s7 =	sadd.s32 s8, s20  }
0xa4: {  	s11 =	simm.s32 $0x0;
	s21 =	sshll.u32 s9, $0x1;
	s9 =	sadd.s32 s22, s7  }
0xa5: {  	[timem:s11], [sflag:s23] =	dma.local [hbm:s9], s21  }
0xa6: {  	_ =	swait.ge [sflag:s23], s21  }
0xa7: {  	s8 =	ssub.s32 $0x0, s21;
	[sflag:s23] =	ssyncset.done $0x0  }
0xa8: {  	[sflag:s23] =	ssyncadd.s32 s8;
	_ =	sdelay $0x1  }
0xa9: {  	s24 =	simm.s32 $0x1B8B  }
0xaa: {  	_ =	swait.ge [sflag:s24], $0x1  }
0xab: {  	[sflag:s24] =	ssyncset.done $0x0  }
0xac: {  	s25 =	simm.s32 $0x1B8E;
	[sflag:s24] =	ssyncadd.s32 $0xFFFFFFFF  }
0xad: {  	s26 =	simm.s32 $execute0_lowered;
	[smem:$0x3FD2] =	sst s25  }
0xae: {  	s8 =	sshll.u32 s26, $0x1;
	_ =	strace $0x80000046;
	[dreg:$0x1] =	wrdreg $0xFFFFFFFF  }
0xaf: {  	s28 =	simm.s32 $_size_execute0_lowered;
	s7 =	sadd.s32 s7, s8;
	[dreg:$0x0] =	wrdreg $0x0  }
0xb0: {  	s8 =	sshll.u32 s28, $0x1;
	[dreg:$0x2] =	wrdreg s7  }
0xb1: {  	[dreg:$0x3] =	wrdreg s8  }
0xb2: {  	[dreg:$0x4] =	wrdreg $0xC0  }
0xb3: {  	_ =	task [dreg:s11], $0x5FFFF  }
0xb4: {  	[dreg:$0x1] =	wrdreg $0xFFFFFFFF  }
0xb5: {  	[dreg:$0x0] =	wrdreg $0x60  }
0xb6: {  	[dreg:$0x2] =	wrdreg s16  }
0xb7: {  	[dreg:$0x3] =	wrdreg s4  }
0xb8: {  	[dreg:$0x4] =	wrdreg s5  }
0xb9: {  	[dreg:$0x5] =	wrdreg s17  }
0xba: {  	[dreg:$0x6] =	wrdreg s18  }
0xbb: {  	[dreg:$0x7] =	wrdreg $0x9  }
0xbc: {  	_ =	task.clear_ibuf [dreg:s11], $0x8FFFF;
	_ =	strace $0x90000046  }
0xbd: {  	s29 =	simm.s32 $0x9;
	_ =	strace $0x80000048  }
0xbe: {  	_ =	swait.ge [sflag:s29], $0x1  }
0xbf: {  	[sflag:s29] =	ssyncadd.s32 $0xFFFFFFFF  }
0xc0: {  	_ =	strace $0x90000048  }
0xc1: {  	_ =	sfence  }
0xc2: {  	s30 =	sld [smem:$0x0];
	_ =	sdelay $0x2  }
0xc3: {  	s31 =	sshll.u32 s1, $0xD;
	s1 =	sshrl.u32 s1, $0x2  }
0xc4: {  	s3 =	sand.u32 $0x4000, s31;
	s1 =	sadd.s32 s1, s30  }
0xc5: {  	s0 =	sor.u32 s3, s0;
	s1 =	sshll.u32 s1, $0x11  }
0xc6: {  	s0 =	sor.u32 s1, s0  }
0xc7: {  	s0 =	sadd.s32 $0x8F2B, s0  }
0xc8: {  	[sflag:s0] =	ssyncadd.remote.s32 $0x1  }
0xc9: {  	_ =	sfence.sel $0xFFFF  }
0xca: {  	[dreg:$0x0] =	wrdreg $0xFFFFFFFF;
	(pc) =	sbr.abs _section_cstart, $3  }
0xcb: {  	[dreg:$0x1] =	wrdreg $0xFFFFFFFF  }
0xcc: {  	_ =	task.clear_ibuf [dreg:s11], $0x2FFFF;
	_ =	strace $0x9FFFFFFF  }
0xcd: {  	(tm) =	ssettm $0x7FFFFFFF  }
tec
execute0_lowered:
.L_overlay_start_1:
0x0: {  	(tag) =	ssettag $0x1  }
0x1: {  	v0 =	vimm.f32 $3.162277640e-01  }
0x2: {  	vm8 =	vcmask $0x300;
	vm9 =	vcmask $0x704;
	vm7 =	vcmask $0xB08;
	s0 =	rddreg [dreg:$0x0]  }
0x3: {  	vm5 =	vcmask $0x1310;
	s5 =	rddreg [dreg:$0x1];
	vm3 =	vcmask $0x1714;
	vm0 =	vcmask $0x2F20  }
0x4: {  	s6 =	rddreg [dreg:$0x2];
	vm4 =	vcmask $0x1B18;
	vm1 =	vcmask $0x3F20;
	vm6 =	vcmask $0x2320  }
0x5: {  	s7 =	rddreg [dreg:$0x3];
	v1 =	vimm.f32 $-1.000000010e-01;
	v2 =	vimm.f32 $5.138151170e+00;
	vm12 =	vcmask $0x2724  }
0x6: {  	s8 =	rddreg [dreg:$0x4];
	vm13 =	vcmask $0x2B28;
	vm14 =	vcmask $0x3734;
	vm15 =	vcmask $0x3B38  }
0x7: {  	s1 =	rddreg [dreg:$0x5];
	s2 =	simm.s32 $0x0;
	s4 =	srdreg.scid;
	v0 =	vsel vm8, $0x3F21E89B, v0;
	v1 =	vsel vm8, $0xBECCCCCD, v1;
	v2 =	vsel vm8, $0x41246BBC, v2  }
0x8: {  	s3 =	stileid.u32;
	[smem:$0x7FF] =	sst s2;
	v0 =	vsel vm9, $0x3F000000, v0;
	v1 =	vsel vm9, $0xBE800000, v1;
	v2 =	vsel vm9, $0x4101FC70, v2  }
0x9: {  	s9 =	sand.u32 $0x1, s4;
	s31 =	sshll.u32 s3, $0x1;
	_ =	strace $0x80000047;
	v0 =	vsel vm7, $0x3EC8D2AB, v0;
	v2 =	vsel vm7, $0x40CBF05F, v2  }
0xa: {  	s10 =	sor.u32 s9, s31;
	v1 =	vsel vm7, $0xBE1D89D9, v1;
	v0 =	vsel vm5, $0x3F21E89B, v0;
	v2 =	vsel vm5, $0x41246BBC, v2  }
0xb: {  	s13 =	simm.s32 $0xA380;
	s4 =	smul.u32 $0x140, s10;
	v1 =	vsel vm5, $0xBECCCCCD, v1;
	v0 =	vsel vm3, $0x3F000000, v0;
	v2 =	vsel vm3, $0x4101FC70, v2  }
0xc: {  	s14 =	simm.s32 $0xA880;
	s10 =	smul.u32 $0xA0, s10;
	v1 =	vsel vm3, $0xBE800000, v1;
	vm3 =	vcmask $0x3330;
	v2 =	vsel vm4, $0x40CBF05F, v2  }
0xd: {  	s9 =	ssub.s32 $0x2, s9;
	v0 =	vsel vm4, $0x3EC8D2AB, v0;
	v1 =	vsel vm4, $0xBE1D89D9, v1;
	v2 =	vsel vm6, $0x41246BBC, v2  }
0xe: {  	s11 =	sshrl.u32 s9, $0x1;
	v0 =	vsel vm6, $0x3F21E89B, v0;
	v1 =	vsel vm6, $0xBECCCCCD, v1;
	v2 =	vsel vm12, $0x4101FC70, v2  }
.Ltmp0:
0xf: {  	s11 =	ssub.s32 s9, s11;
	s9 =	simm.s32 $0xA080;
	v0 =	vsel vm12, $0x3F000000, v0;
	v1 =	vsel vm12, $0xBE800000, v1;
	v2 =	vsel vm13, $0x40CBF05F, v2;
	(pc) =	sbr.rel .LBB2_1-.Ltmp0, $4  }
0x10: {  	v0 =	vsel vm13, $0x3EC8D2AB, v0;
	v1 =	vsel vm13, $0xBE1D89D9, v1;
	v2 =	vsel vm3, $0x41246BBC, v2  }
0x11: {  	s15 =	simm.s32 $0x0;
	s12 =	sshrl.u32 s4, $0x3;
	s7 =	sadd.s32 s7, s10;
	v0 =	vsel vm3, $0x3F21E89B, v0;
	v1 =	vsel vm3, $0xBECCCCCD, v1;
	v2 =	vsel vm14, $0x4101FC70, v2  }
0x12: {  	s5 =	sadd.s32 s5, s12;
	s6 =	sadd.s32 s6, s12;
	s12 =	simm.s32 $0xA200;
	v0 =	vsel vm14, $0x3F000000, v0;
	v1 =	vsel vm14, $0xBE800000, v1;
	v47 =	vsel vm15, $0x40CBF05F, v2  }
0x13: {  	vm2 =	vcmask $0x3F10;
	s8 =	sadd.s32 s8, s10;
	s10 =	smax.u32 s11, $0x1;
	s11 =	simm.s32 $0x1;
	v0 =	vsel vm15, $0x3EC8D2AB, v0;
	v1 =	vsel vm15, $0xBE1D89D9, v1;
	[tilespmem:$0x1FFF0] =	vst v47  }
.LBB2_11:
0x14: {  	[hbm4b:s7+s2] =	stream.linear.scatter [tilespmem:s13], [sflag:$0x1], $0x500, $0x38;
	[tilespmem:$0xAD80] =	vst v63  }
0x15: {  	s15 =	sadd.s32 $0x1, s15;
	_ =	swait.ge [sflag:s11], $0x500  }
0x16: {  	p0 =	sne.s32 s15, s10;
	[sflag:s11] =	ssyncset.done $0x0  }
.Ltmp1:
0x17: {  	[sflag:s11] =	ssyncadd.s32 $0xFFFFFB00;
	(pc) =	sbr.rel @!p0 .LBB2_12-.Ltmp1, $4  }
0x18: {  	[hbm4b:s8+s2] =	stream.linear.scatter [tilespmem:s14], [sflag:$0x1], $0x500, $0x38;
	[tilespmem:$0xAD80] =	vst v63  }
0x19: {  	_ =	swait.ge [sflag:s11], $0x500  }
0x1a: {  	[sflag:s11] =	ssyncset.done $0x0  }
0x1b: {  	[sflag:s11] =	ssyncadd.s32 $0xFFFFFB00  }
.LBB2_1:
0x1c: {  	[tilespmem:s2], [sflag:$0x1] =	stream.linear.gather [hbm4b:s0+s2], $0xA080, $0x38;
	[tilespmem:$0xAD80] =	vst v63  }
0x1d: {  	_ =	swait.ge [sflag:s11], $0xA080  }
0x1e: {  	[sflag:s11] =	ssyncset.done $0x0  }
0x1f: {  	[sflag:s11] =	ssyncadd.s32 $0xFFFF5F80  }
0x20: {  	[tilespmem:s9], [sflag:$0x1] =	stream.linear.gather [hbm4b:s5+s2], $0x150, $0x38;
	[tilespmem:$0xAD80] =	vst v63  }
0x21: {  	_ =	swait.ge [sflag:s11], $0x150  }
0x22: {  	[sflag:s11] =	ssyncset.done $0x0  }
.Ltmp2:
0x23: {  	[sflag:s11] =	ssyncadd.s32 $0xFFFFFEB0;
	(pc) =	sbr.rel .LBB2_2-.Ltmp2, $4  }
0x24: {  	[tilespmem:s12], [sflag:$0x1] =	stream.linear.gather [hbm4b:s6+s2], $0x150, $0x38;
	[tilespmem:$0xAD80] =	vst v63  }
0x25: {  	_ =	swait.ge [sflag:s11], $0x150  }
0x26: {  	[sflag:s11] =	ssyncset.done $0x0  }
0x27: {  	s16 =	simm.s32 $0x0;
	[sflag:s11] =	ssyncadd.s32 $0xFFFFFEB0  }
.LBB2_4:
0x28: {  	v28 =	vimm.f32 $0.0e+00  }
.LBB2_9:
0x29: {  	v2 =	vadd.f32 $3.480241890e-01, v39;
	v3 =	vadd.f32 $3.480241890e-01, v27  }
0x2a: {  	v4 =	vmul.f32 v44, v41;
	v5 =	vmul.f32 v26, v19  }
0x2b: {  	v2 =	vmul.f32 v2, v20;
	v3 =	vmul.f32 v3, v21  }
0x2c: {  	v4 =	vmul.f32 v4, v22;
	v5 =	vmul.f32 v5, v23  }
0x2d: {  	v6 =	vadd.f32 @p0 v34, v33;
	v2 =	vmul.f32 v2, v24;
	v3 =	vmul.f32 v3, v25  }
0x2e: {  	v4 =	vsub.f32 $1.000000000e+00, v4;
	v5 =	vsub.f32 $1.000000000e+00, v5  }
0x2f: {  	v2 =	vsub.f32 $1.000000000e+00, v2;
	v3 =	vsub.f32 $1.000000000e+00, v3  }
0x30: {  	v7 =	vadd.f32 @p0 v37, v35;
	v4 =	vmul.f32 v4, v36;
	v5 =	vmul.f32 v5, v38  }
0x31: {  	v2 =	vmul.f32 v2, v32;
	v3 =	vmul.f32 v3, v31  }
0x32: {  	v6 =	vadd.f32 @p0 v7, v6  }
0x33: {  	v4 =	vadd.f32 v5, v4;
	v2 =	vadd.f32 v3, v2  }
0x34: {  	v3 =	vadd.f32 @p0 v6, v28  }
0x35: {  	v2 =	vadd.f32 v2, v4  }
0x36: {  	v3 =	vpsel p0, v3, v18  }
0x37: {  	v2 =	vadd.f32 v2, v3;
	_ =	sdelay $0x1  }
0x38: {  	v7 =	vmul.f32 $1.439964580e+01, v17;
	v5 =	vmul.f32 $1.439964580e+01, v2  }
.LBB2_10:
0x39: {  	v2 =	vbroadcast v49, $0xB  }
0x3a: {  	v3 =	vbroadcast v49, $0xF;
	v4 =	vbroadcast v49, $0x7  }
0x3b: {  	v6 =	vbroadcast v48, $0xB;
	v8 =	vbroadcast v48, $0xF  }
0x3c: {  	v9 =	vbroadcast v48, $0x7;
	s17 =	sshll.u32 s16, $0x5;
	s16 =	sadd.s32 $0x1, s16;
	v2 =	vsel vm0, v2, v3;
	v3 =	vbroadcast v49, $0x3  }
0x3d: {  	v63 =	vbroadcast v48, $0x3;
	p0 =	sne.s32 s16, $0x28;
	v62 =	vsel vm0, v6, v8;
	v2 =	vsel vm1, v2, v4  }
.Ltmp3:
0x3e: {  	v2 =	vsel vm2, v2, v3;
	v3 =	vsel vm1, v62, v9;
	(pc) =	sbr.rel @!p0 .LBB2_11-.Ltmp3, $4  }
0x3f: {  	[tilespmem:s17+$0xA380] =	vst v5;
	v3 =	vsel vm2, v3, v63;
	v2 =	vmul.f32 v47, v2  }
0x40: {  	[tilespmem:s17+$0xA390] =	vst v7;
	v3 =	vmul.f32 v47, v3  }
0x41: {  	[tilespmem:s17+$0xA880] =	vst v2  }
0x42: {  	[tilespmem:s17+$0xA890] =	vst v3  }
.LBB2_2:
0x43: {  	s17 =	sshll.u32 s16, $0x3  }
0x44: {  	v6 =	vld [tilespmem:s17+$0xA080];
	_ =	sdelay $0x4  }
0x45: {  	(v2sf) =	vpush v6, $0x0;
	_ =	sdelay $0x1  }
0x46: {  	v8 =	vld [tilespmem:s17+$0xA200];
	_ =	sdelay $0x4  }
0x47: {  	(v2sf) =	vpush v8, $0x7;
	_ =	sdelay $0x7  }
0x48: {  	s18 =	spop (v2sf)  }
0x49: {  	s19 =	sand.u32 $0x3, s18  }
0x4a: {  	s20 =	sshra.s32 s18, $0x1F;
	p0 =	slt.s32 s18, $0x1;
	p1 =	sne.s32 s19, $0x0  }
0x4b: {  	s29 =	sshrl.u32 s20, $0x1E;
	p0 =	por !p0, !p1  }
0x4c: {  	s19 =	simm.s32 $0x1;
	s18 =	sadd.s32 s29, s18;
	p0 =	por !p0, !p0  }
0x4d: {  	s30 =	sshra.s32 s18, $0x2;
	s19 =	simm.s32 @!p0 $0x0  }
0x4e: {  	s20 =	sadd.s32 s4, s17;
	s19 =	ssub.s32 s30, s19  }
0x4f: {  	s17 =	spop (v2sf);
	s31 =	sshll.u32 s20, $0x2;
	s18 =	sshll.u32 s19, $0x2  }
0x50: {  	s21 =	sand.u32 $0x3FFFFFFC, s31;
	p0 =	sge.s32 s18, s17  }
.Ltmp4:
0x51: {  	v49 =	vld [tilespmem:s21+$0x0];
	(pc) =	sbr.rel @p0 .LBB2_10-.Ltmp4, $3  }
0x52: {  	_ = 	snop  }
0x53: {  	v48 =	vld [tilespmem:s21+$0x10];
	_ =	sdelay $0x1  }
0x54: {  	v5 =	vimm.f32 $0.0e+00;
	v7 =	vimm.f32 $0.0e+00  }
0x55: {  	v5 =	vbroadcast v6, $0x2;
	v7 =	vbroadcast v6, $0x3  }
0x56: {  	v9 =	vbroadcast v6, $0x1  }
0x57: {  	v10 =	vbroadcast v8, $0x3;
	v5 =	vsel vm0, v5, v7;
	v7 =	vbroadcast v6, $0x0  }
0x58: {  	v11 =	vbroadcast v8, $0x0;
	v5 =	vsel vm1, v5, v9;
	v9 =	vbroadcast v8, $0x2  }
0x59: {  	v12 =	vbroadcast v6, $0x7;
	v13 =	vbroadcast v6, $0x4;
	v2 =	vsel vm2, v5, v7  }
0x5a: {  	v7 =	vbroadcast v8, $0x1;
	v9 =	vsel vm0, v9, v10;
	v10 =	vbroadcast v6, $0x6  }
0x5b: {  	v14 =	vbroadcast v8, $0x7;
	v15 =	vbroadcast v49, $0x1  }
0x5c: {  	s21 =	sor.u32 $0x3, s20;
	v7 =	vsel vm1, v9, v7;
	v9 =	vbroadcast v6, $0x5;
	v10 =	vsel vm0, v10, v12  }
0x5d: {  	v12 =	vbroadcast v8, $0x6;
	v3 =	vsel vm2, v7, v11;
	v11 =	vmov s21  }
0x5e: {  	v7 =	vsel vm1, v10, v9;
	v9 =	vbroadcast v8, $0x5;
	v8 =	vbroadcast v8, $0x4  }
0x5f: {  	s22 =	sor.u32 $0x2, s20;
	v4 =	vsel vm2, v7, v13;
	v10 =	vsel vm0, v12, v14;
	v12 =	vbroadcast v49, $0xC  }
0x60: {  	s28 =	sor.u32 $0x1, s20;
	v9 =	vsel vm1, v10, v9;
	v10 =	vsel vm0, s22, v11;
	v11 =	vbroadcast v49, $0x8  }
0x61: {  	v13 =	vbroadcast v49, $0x4;
	v14 =	vbroadcast v49, $0xD;
	v10 =	vnsel vm1, s28, v10  }
0x62: {  	s19 =	sshll.u32 s19, $0x6;
	v8 =	vsel vm2, v9, v8;
	v11 =	vsel vm0, v11, v12;
	v12 =	vbroadcast v49, $0x0  }
0x63: {  	v9 =	vnsel vm2, s20, v10;
	s20 =	sshra.s32 s19, $0x2;
	v11 =	vsel vm1, v11, v13;
	v13 =	vbroadcast v49, $0x9  }
0x64: {  	v16 =	vbroadcast v49, $0xE;
	v21 =	vld [tilespmem:s20+$0x0];
	v11 =	vsel vm2, v11, v12;
	v12 =	vbroadcast v49, $0x5  }
0x65: {  	v17 =	vbroadcast v49, $0x2;
	v13 =	vsel vm0, v13, v14;
	v14 =	vbroadcast v49, $0xA  }
0x66: {  	v18 =	vbroadcast v48, $0xC;
	v12 =	vsel vm1, v13, v12;
	v13 =	vbroadcast v49, $0x6  }
0x67: {  	v19 =	vbroadcast v48, $0x6;
	v20 =	vbroadcast v48, $0x1;
	v14 =	vsel vm0, v14, v16  }
0x68: {  	v16 =	vbroadcast v48, $0x8;
	v13 =	vsel vm1, v14, v13;
	v14 =	vbroadcast v48, $0x4  }
0x69: {  	v22 =	vbroadcast v21, $0x2;
	v23 =	vbroadcast v21, $0x6  }
0x6a: {  	v26 =	vbroadcast v21, $0xA;
	v24 =	vbroadcast v21, $0x0  }
0x6b: {  	v27 =	vbroadcast v21, $0xE;
	v25 =	vbroadcast v21, $0x1  }
0x6c: {  	v28 =	vbroadcast v21, $0x4;
	v30 =	vbroadcast v21, $0x5  }
0x6d: {  	v10 =	vadd.s32 $0x4, v9;
	v31 =	vbroadcast v21, $0x8;
	v34 =	vbroadcast v21, $0x9  }
0x6e: {  	v12 =	vsel vm2, v12, v15;
	v37 =	vbroadcast v21, $0xC;
	v40 =	vbroadcast v21, $0xD  }
0x6f: {  	v13 =	vsel vm2, v13, v17;
	v15 =	vsel vm0, v16, v18;
	v16 =	vbroadcast v48, $0x0  }
0x70: {  	v17 =	vbroadcast v48, $0xD;
	v18 =	vbroadcast v48, $0xE;
	v14 =	vsel vm1, v15, v14  }
0x71: {  	v15 =	vbroadcast v48, $0x9;
	v58 =	vsub.f32 v25, v12;
	v14 =	vsel vm2, v14, v16  }
0x72: {  	v16 =	vbroadcast v48, $0xA;
	v32 =	vsub.f32 v24, v14;
	v36 =	vsub.f32 v28, v14  }
0x73: {  	v15 =	vsel vm0, v15, v17;
	v39 =	vsub.f32 v31, v14;
	v42 =	vsub.f32 v37, v14  }
0x74: {  	v17 =	vbroadcast v48, $0x5;
	v28 =	vsub.f32 v28, v11;
	v31 =	vsub.f32 v31, v11  }
0x75: {  	v37 =	vsub.f32 v37, v11;
	v16 =	vsel vm0, v16, v18;
	v18 =	vbroadcast v48, $0x2  }
0x76: {  	v15 =	vsel vm1, v15, v17;
	v16 =	vsel vm1, v16, v19;
	v32 =	vmul.f32 v32, v32  }
0x77: {  	s31 =	sadd.s32 $0x3, s18;
	v17 =	vmov s18;
	v36 =	vmul.f32 v36, v36;
	v39 =	vmul.f32 v39, v39  }
0x78: {  	v19 =	vmov s31;
	v42 =	vmul.f32 v42, v42;
	v28 =	vmul.f32 v28, v28  }
0x79: {  	v31 =	vmul.f32 v31, v31;
	v15 =	vsel vm2, v15, v20;
	v16 =	vsel vm2, v16, v18  }
0x7a: {  	s29 =	sadd.s32 $0x1, s18;
	s30 =	sadd.s32 $0x2, s18;
	vm3 =	vge.s32 v17, v4;
	vm4 =	vlt.s32 v17, v8;
	vm7 =	vne.s32 v17, v10  }
0x7b: {  	v20 =	vmov s29;
	v18 =	vmov s30;
	vm5 =	vne.s32 v19, v10  }
0x7c: {  	vm12 =	vge.s32 v19, v4;
	vm13 =	vlt.s32 v19, v8;
	vm3 =	vmand vm3, vm4  }
0x7d: {  	vm6 =	vne.s32 v20, v10;
	vm4 =	vne.s32 v18, v10;
	v29 =	vsub.f32 v22, v16  }
0x7e: {  	vm8 =	vge.s32 v20, v4;
	v33 =	vsub.f32 v23, v16;
	v35 =	vsub.f32 v25, v15  }
0x7f: {  	vm9 =	vlt.s32 v20, v8;
	v38 =	vsub.f32 v30, v15;
	v41 =	vsub.f32 v34, v15  }
0x80: {  	vm10 =	vge.s32 v18, v4;
	v43 =	vsub.f32 v40, v15;
	v44 =	vsub.f32 v26, v16  }
0x81: {  	vm11 =	vlt.s32 v18, v8;
	v45 =	vsub.f32 v27, v16;
	v30 =	vsub.f32 v30, v12  }
0x82: {  	vm14 =	vmand vm12, vm13;
	v34 =	vsub.f32 v34, v12;
	v40 =	vsub.f32 v40, v12  }
0x83: {  	vm3 =	vmand vm7, vm3;
	v29 =	vmul.f32 v29, v29;
	v33 =	vmul.f32 v33, v33  }
0x84: {  	vm7 =	vmand vm8, vm9;
	v35 =	vmul.f32 v35, v35;
	v38 =	vmul.f32 v38, v38  }
0x85: {  	vm15 =	vmand vm10, vm11;
	v41 =	vmul.f32 v41, v41;
	v43 =	vmul.f32 v43, v43  }
0x86: {  	v62 =	vmul.f32 v44, v44;
	v32 =	vadd.f32 v35, v32;
	v61 =	vadd.f32 v38, v36  }
0x87: {  	[tilespmem:$0x1FFC0] =	vst v4;
	v5 =	vmul.f32 v45, v45;
	v63 =	vadd.f32 v41, v39;
	v4 =	vadd.f32 v43, v42  }
0x88: {  	vm5 =	vmand vm5, vm14;
	v29 =	vadd.f32 v32, v29;
	v44 =	vadd.f32 v61, v33  }
0x89: {  	vm6 =	vmand vm6, vm7;
	v45 =	vadd.f32 v63, v62;
	v46 =	vadd.f32 v4, v5  }
0x8a: {  	vm4 =	vmand vm4, vm15;
	v29 =	vnsel vm3, $0x3F800000, v29;
	v32 =	vnsel vm6, $0x3F800000, v44  }
0x8b: {  	v33 =	vnsel vm4, $0x3F800000, v45;
	v35 =	vnsel vm5, $0x3F800000, v46;
	v50 =	vshrl.u32 v29, $0x1  }
0x8c: {  	v51 =	vmul.f32 $5.000000000e-01, v29;
	v52 =	vshrl.u32 v32, $0x1;
	v53 =	vmul.f32 $5.000000000e-01, v32  }
0x8d: {  	v54 =	vshrl.u32 v33, $0x1;
	v55 =	vmul.f32 $5.000000000e-01, v33;
	v36 =	vsub.s32 $0x5F3759DF, v50  }
0x8e: {  	v56 =	vshrl.u32 v35, $0x1;
	v39 =	vsub.s32 $0x5F3759DF, v52;
	v38 =	vmul.f32 v36, v51  }
0x8f: {  	v57 =	vmul.f32 $5.000000000e-01, v35;
	v42 =	vsub.s32 $0x5F3759DF, v54;
	v41 =	vmul.f32 v39, v53  }
0x90: {  	v44 =	vsub.s32 $0x5F3759DF, v56;
	v43 =	vmul.f32 v42, v55;
	v38 =	vmul.f32 v36, v38  }
0x91: {  	v46 =	vsub.f32 v24, v11;
	v24 =	vmul.f32 v44, v57;
	v41 =	vmul.f32 v39, v41  }
0x92: {  	vm12 =	vlt.s32 v19, v3;
	v25 =	vmul.f32 v42, v43;
	v38 =	vsub.f32 $1.500000000e+00, v38  }
0x93: {  	vm13 =	vge.s32 v17, v2;
	v24 =	vmul.f32 v44, v24;
	v41 =	vsub.f32 $1.500000000e+00, v41  }
0x94: {  	v30 =	vmul.f32 v30, v30;
	v25 =	vsub.f32 $1.500000000e+00, v25;
	v36 =	vmul.f32 v36, v38  }
0x95: {  	v45 =	vmul.f32 v58, v58;
	v59 =	vsub.f32 $1.500000000e+00, v24;
	v38 =	vmul.f32 v39, v41  }
0x96: {  	vm8 =	vge.s32 v20, v2;
	v24 =	vmul.f32 v42, v25;
	v60 =	vmul.f32 v36, v29  }
0x97: {  	vm11 =	vlt.s32 v20, v3;
	v25 =	vmul.f32 v44, v59;
	v61 =	vmul.f32 v38, v32  }
0x98: {  	vm9 =	vlt.s32 v18, v3;
	v63 =	vmul.f32 v24, v33;
	v62 =	vmul.f32 v0, v60  }
0x99: {  	v43 =	vsub.f32 v22, v13;
	v22 =	vmul.f32 v25, v35;
	v42 =	vmul.f32 v0, v61  }
0x9a: {  	v44 =	vsub.f32 v23, v13;
	v23 =	vmul.f32 v0, v63;
	v39 =	vmul.f32 $4.704700110e-01, v62  }
0x9b: {  	v28 =	vadd.f32 v30, v28;
	v22 =	vmul.f32 v0, v22;
	v4 =	vmul.f32 $4.704700110e-01, v42  }
0x9c: {  	v30 =	vmul.f32 v1, v33;
	v23 =	vmul.f32 $4.704700110e-01, v23;
	v39 =	vadd.f32 $1.000000000e+00, v39  }
0x9d: {  	v42 =	vsub.f32 v26, v13;
	v22 =	vmul.f32 $4.704700110e-01, v22;
	v41 =	vadd.f32 $1.000000000e+00, v4  }
0x9e: {  	v26 =	vmul.f32 v46, v46;
	v23 =	vadd.f32 $1.000000000e+00, v23;
	(erf) = vrcp.f32 v39  }
0x9f: {  	v22 =	vadd.f32 $1.000000000e+00, v22;
	v42 =	vmul.f32 v42, v42;
	(erf) = vrcp.f32 v41  }
0xa0: {  	v39 =	vsub.f32 v27, v13;
	v27 =	vmul.f32 v1, v32;
	(erf) = vrcp.f32 v23  }
0xa1: {  	v23 =	vmul.f32 v34, v34;
	v34 =	vadd.f32 v45, v26;
	v26 =	vmul.f32 v37, v37  }
0xa2: {  	vm10 =	vge.s32 v19, v2;
	(erf) = vrcp.f32 v22;
	v22 =	vmul.f32 v1, v29  }
0xa3: {  	v27 =	vmul.f32 $1.442695020e+00, v27;
	v29 =	vadd.f32 v23, v31;
	v23 =	vmul.f32 v40, v40  }
0xa4: {  	vm14 =	vne.s32 v17, v9;
	v31 =	vmul.f32 v1, v35;
	v22 =	vmul.f32 $1.442695020e+00, v22  }
0xa5: {  	v46 =	vmul.f32 v39, v39;
	v32 =	vadd.f32 v23, v26;
	v23 =	vmul.f32 $1.442695020e+00, v30  }
0xa6: {  	vm7 =	vge.s32 v18, v2;
	v26 =	vmul.f32 $1.442695020e+00, v31;
	(erf) = vpow2.f32 v22  }
0xa7: {  	vm15 =	vne.s32 v20, v9;
	v22 =	vbroadcast v21, $0x3;
	(erf) = vpow2.f32 v27  }
0xa8: {  	v20 =	vadd.f32 v29, v42;
	(erf) = vpow2.f32 v23;
	v23 =	vbroadcast v21, $0x7  }
0xa9: {  	v30 =	vpop (erf);
	v56 =	vnsel vm3, $0x0, v22;
	vm3 =	vlt.s32 v17, v3;
	(erf) = vpow2.f32 v26  }
0xaa: {  	v31 =	vpop (erf);
	v26 =	vmul.f32 $7.478556030e-01, v30;
	v36 =	vmul.f32 v36, v56;
	vm3 =	vmand vm13, vm3  }
0xab: {  	vm13 =	vne.s32 v19, v9;
	v5 =	vpop (erf);
	v27 =	vmul.f32 $7.478556030e-01, v31;
	v57 =	vnsel vm6, $0x0, v23  }
0xac: {  	v50 =	vpop (erf);
	v51 =	vmul.f32 $7.478556030e-01, v5;
	v53 =	vadd.f32 $-9.587980060e-02, v26;
	v26 =	vbroadcast v21, $0xF  }
0xad: {  	vm6 =	vmand vm8, vm11;
	v38 =	vmul.f32 v38, v57;
	v52 =	vmul.f32 $7.478556030e-01, v50  }
0xae: {  	v54 =	vadd.f32 $-9.587980060e-02, v27;
	v27 =	vbroadcast v21, $0xB;
	v37 =	vadd.f32 $-9.587980060e-02, v51  }
0xaf: {  	v55 =	vmul.f32 v53, v30;
	v4 =	vnsel vm5, $0x0, v26;
	vm5 =	vmand vm15, vm6  }
0xb0: {  	vm15 =	vmand vm14, vm3;
	v21 =	vadd.f32 $-9.587980060e-02, v52;
	v45 =	vmul.f32 v54, v31  }
0xb1: {  	v63 =	vnsel vm4, $0x0, v27;
	vm4 =	vmand vm7, vm9;
	v37 =	vmul.f32 v37, v5  }
0xb2: {  	vm7 =	vmand vm10, vm12;
	vm12 =	vne.s32 v18, v9;
	v18 =	vadd.f32 v32, v46  }
0xb3: {  	v25 =	vmul.f32 v25, v4;
	v40 =	vadd.f32 $3.480241890e-01, v55;
	v37 =	vadd.f32 $3.480241890e-01, v37  }
0xb4: {  	vm4 =	vmand vm12, vm4;
	vm3 =	vmand vm13, vm7;
	v21 =	vmul.f32 v21, v50  }
0xb5: {  	v58 =	vadd.f32 $3.480241890e-01, v45;
	v33 =	vmul.f32 v37, v5;
	v5 =	vmul.f32 v43, v43  }
0xb6: {  	v45 =	vmul.f32 v44, v44;
	v20 =	vnsel vm4, $0x3F800000, v20;
	v18 =	vnsel vm3, $0x3F800000, v18  }
0xb7: {  	v30 =	vmul.f32 v40, v30;
	v52 =	vshrl.u32 v20, $0x1;
	v34 =	vadd.f32 v34, v5  }
0xb8: {  	v53 =	vmul.f32 $5.000000000e-01, v20;
	v54 =	vshrl.u32 v18, $0x1;
	v28 =	vadd.f32 v28, v45  }
0xb9: {  	v55 =	vmul.f32 $5.000000000e-01, v18;
	v21 =	vadd.f32 $3.480241890e-01, v21;
	v17 =	vnsel vm15, $0x3F800000, v34  }
0xba: {  	v19 =	vnsel vm5, $0x3F800000, v28;
	v28 =	vshrl.u32 v17, $0x1;
	v29 =	vmul.f32 $5.000000000e-01, v17  }
0xbb: {  	v59 =	vpop (erf);
	v31 =	vmul.f32 v58, v31;
	v35 =	vsub.s32 $0x5F3759DF, v52;
	v28 =	vsub.s32 $0x5F3759DF, v28  }
0xbc: {  	v41 =	vsub.s32 $0x5F3759DF, v54;
	v30 =	vmul.f32 v30, v59;
	v29 =	vmul.f32 v28, v29  }
0xbd: {  	v21 =	vmul.f32 v21, v50;
	v50 =	vshrl.u32 v19, $0x1;
	v51 =	vmul.f32 $5.000000000e-01, v19  }
0xbe: {  	v60 =	vpop (erf);
	v39 =	vmul.f32 v35, v53;
	v32 =	vsub.s32 $0x5F3759DF, v50;
	v29 =	vmul.f32 v28, v29  }
0xbf: {  	v61 =	vpop (erf);
	v42 =	vmul.f32 v41, v55;
	v34 =	vmul.f32 v32, v51  }
0xc0: {  	v31 =	vmul.f32 v31, v60;
	v33 =	vmul.f32 v33, v61;
	v29 =	vsub.f32 $1.500000000e+00, v29  }
0xc1: {  	v39 =	vmul.f32 v35, v39;
	v34 =	vmul.f32 v32, v34  }
0xc2: {  	v62 =	vpop (erf);
	v30 =	vsub.f32 $1.000000000e+00, v30;
	v56 =	vmul.f32 v41, v42;
	v28 =	vmul.f32 v28, v29  }
0xc3: {  	v21 =	vmul.f32 v21, v62;
	v31 =	vsub.f32 $1.000000000e+00, v31;
	v34 =	vsub.f32 $1.500000000e+00, v34  }
0xc4: {  	v30 =	vmul.f32 v30, v36;
	v57 =	vsub.f32 $1.500000000e+00, v39;
	v59 =	vmul.f32 v28, v17  }
0xc5: {  	v32 =	vmul.f32 v32, v34;
	v29 =	vmul.f32 v31, v38;
	v31 =	vsub.f32 $1.500000000e+00, v56  }
0xc6: {  	v58 =	vmul.f32 v35, v57;
	v35 =	vmul.f32 v0, v59  }
0xc7: {  	v60 =	vmul.f32 v32, v19;
	v31 =	vmul.f32 v41, v31  }
0xc8: {  	v61 =	vmul.f32 v58, v20;
	v35 =	vmul.f32 $4.704700110e-01, v35  }
0xc9: {  	v36 =	vmul.f32 v0, v60;
	v62 =	vmul.f32 v31, v18  }
0xca: {  	v24 =	vmul.f32 v24, v63;
	v37 =	vmul.f32 v0, v61;
	v35 =	vadd.f32 $1.000000000e+00, v35  }
0xcb: {  	v21 =	vsub.f32 $1.000000000e+00, v21;
	v36 =	vmul.f32 $4.704700110e-01, v36;
	v38 =	vmul.f32 v0, v62  }
0xcc: {  	v33 =	vsub.f32 $1.000000000e+00, v33;
	v63 =	vmul.f32 $4.704700110e-01, v37;
	(erf) = vrcp.f32 v35  }
0xcd: {  	v21 =	vmul.f32 v21, v25;
	v36 =	vadd.f32 $1.000000000e+00, v36;
	v25 =	vmul.f32 $4.704700110e-01, v38  }
0xce: {  	v24 =	vmul.f32 v33, v24;
	v33 =	vadd.f32 $1.000000000e+00, v63  }
0xcf: {  	v25 =	vadd.f32 $1.000000000e+00, v25;
	(erf) = vrcp.f32 v36  }
0xd0: {  	v17 =	vmul.f32 v1, v17;
	(erf) = vrcp.f32 v33  }
0xd1: {  	v19 =	vmul.f32 v1, v19;
	(erf) = vrcp.f32 v25  }
0xd2: {  	v20 =	vmul.f32 v1, v20;
	v17 =	vmul.f32 $1.442695020e+00, v17  }
0xd3: {  	v19 =	vmul.f32 $1.442695020e+00, v19;
	v18 =	vmul.f32 v1, v18  }
0xd4: {  	v20 =	vmul.f32 $1.442695020e+00, v20;
	(erf) = vpow2.f32 v17  }
0xd5: {  	v18 =	vmul.f32 $1.442695020e+00, v18;
	(erf) = vpow2.f32 v19;
	v41 =	vpop (erf)  }
0xd6: {  	v17 =	vadd.f32 v21, v24;
	(erf) = vpow2.f32 v20;
	v21 =	vmul.f32 $7.478556030e-01, v41  }
0xd7: {  	(erf) = vpow2.f32 v18  }
0xd8: {  	v22 =	vnsel vm15, $0x0, v22;
	v23 =	vnsel vm5, $0x0, v23;
	v25 =	vadd.f32 v29, v30;
	v19 =	vpop (erf)  }
0xd9: {  	v26 =	vnsel vm3, $0x0, v26;
	v36 =	vmul.f32 v28, v22;
	v24 =	vmul.f32 $7.478556030e-01, v19;
	v20 =	vpop (erf)  }
0xda: {  	s19 =	sadd.s32 $0x4, s18;
	v17 =	vadd.f32 v17, v25;
	v25 =	vnsel vm4, $0x0, v27;
	v27 =	vadd.f32 $-9.587980060e-02, v21;
	v21 =	vpop (erf)  }
0xdb: {  	p1 =	slt.s32 s19, s17;
	v28 =	vmul.f32 $7.478556030e-01, v20;
	v24 =	vadd.f32 $-9.587980060e-02, v24;
	v29 =	vmul.f32 $7.478556030e-01, v21  }
.Ltmp5:
0xdc: {  	v31 =	vmul.f32 v31, v26;
	(pc) =	sbr.rel @!p1 .LBB2_4-.Ltmp5, $4  }
0xdd: {  	v27 =	vmul.f32 v27, v41;
	v28 =	vadd.f32 $-9.587980060e-02, v28;
	v22 =	vpop (erf);
	v29 =	vadd.f32 $-9.587980060e-02, v29  }
0xde: {  	v38 =	vmul.f32 v32, v23;
	v18 =	vimm.f32 $0.0e+00;
	v30 =	vmul.f32 v24, v19;
	v23 =	vpop (erf)  }
0xdf: {  	[tilespmem:$0x1FFD0] =	vst v2;
	v44 =	vadd.f32 $3.480241890e-01, v27;
	v39 =	vmul.f32 v28, v20;
	v24 =	vpop (erf);
	v27 =	vmul.f32 v29, v21  }
0xe0: {  	p0 =	por $0x0, $0x0;
	[tilespmem:$0x1FFE0] =	vst v3;
	v32 =	vmul.f32 v58, v25;
	v17 =	vadd.f32 v17, v18;
	v26 =	vadd.f32 $3.480241890e-01, v30;
	v25 =	vpop (erf)  }
0xe1: {  	v29 =	vmov s19;
	s18 =	sadd.s32 $0x10, s20;
	v2 =	vld [tilespmem:$0x1FFC0]  }
0xe2: {  	v28 =	vmul.f32 v44, v41;
	s31 =	sadd.s32 $0x1, s19;
	s21 =	sadd.s32 $0x2, s19;
	s22 =	sadd.s32 $0x3, s19;
	v35 =	vld [tilespmem:s18+$0x0];
	vm4 =	vlt.s32 v29, v8;
	vm7 =	vne.s32 v29, v10  }
0xe3: {  	v34 =	vmov s31;
	v30 =	vmov s21;
	v33 =	vmov s22  }
0xe4: {  	v19 =	vmul.f32 v26, v19;
	vm6 =	vne.s32 v34, v10;
	vm9 =	vlt.s32 v34, v8  }
0xe5: {  	vm5 =	vne.s32 v33, v10;
	vm11 =	vlt.s32 v30, v8;
	vm13 =	vlt.s32 v33, v8  }
0xe6: {  	vm3 =	vge.s32 v29, v2;
	vm8 =	vge.s32 v34, v2;
	vm10 =	vge.s32 v30, v2  }
0xe7: {  	v3 =	vld [tilespmem:$0x1FFE0];
	vm12 =	vge.s32 v33, v2;
	v37 =	vbroadcast v35, $0x2;
	v40 =	vbroadcast v35, $0x6  }
0xe8: {  	vm3 =	vmand vm3, vm4;
	v41 =	vbroadcast v35, $0xA;
	v42 =	vbroadcast v35, $0x0  }
0xe9: {  	vm4 =	vne.s32 v30, v10;
	v43 =	vbroadcast v35, $0xE;
	v44 =	vbroadcast v35, $0x1  }
0xea: {  	vm15 =	vmand vm10, vm11;
	v45 =	vbroadcast v35, $0x4;
	v47 =	vbroadcast v35, $0x5  }
0xeb: {  	[tilespmem:$0x1FFB0] =	vst v48;
	vm14 =	vmand vm12, vm13;
	v48 =	vbroadcast v35, $0x8;
	v51 =	vbroadcast v35, $0x9  }
0xec: {  	v54 =	vbroadcast v35, $0xC;
	v57 =	vbroadcast v35, $0xD;
	vm13 =	vlt.s32 v34, v3  }
0xed: {  	vm11 =	vlt.s32 v33, v3;
	v46 =	vsub.f32 v37, v16;
	v62 =	vsub.f32 v42, v14  }
0xee: {  	vm3 =	vmand vm7, vm3;
	v50 =	vsub.f32 v40, v16;
	v52 =	vsub.f32 v44, v15  }
0xef: {  	vm7 =	vmand vm8, vm9;
	v53 =	vsub.f32 v45, v14;
	v55 =	vsub.f32 v47, v15  }
0xf0: {  	vm4 =	vmand vm4, vm15;
	v56 =	vsub.f32 v48, v14;
	v58 =	vsub.f32 v51, v15  }
0xf1: {  	vm5 =	vmand vm5, vm14;
	v59 =	vsub.f32 v54, v14;
	v60 =	vsub.f32 v57, v15  }
0xf2: {  	v61 =	vsub.f32 v41, v16;
	v46 =	vmul.f32 v46, v46;
	v50 =	vmul.f32 v50, v50  }
0xf3: {  	[tilespmem:$0x1FFA0] =	vst v49;
	v42 =	vsub.f32 v42, v11;
	v49 =	vmul.f32 v62, v62;
	v52 =	vmul.f32 v52, v52  }
0xf4: {  	v44 =	vsub.f32 v44, v12;
	v53 =	vmul.f32 v53, v53;
	v55 =	vmul.f32 v55, v55  }
0xf5: {  	v45 =	vsub.f32 v45, v11;
	v56 =	vmul.f32 v56, v56;
	v58 =	vmul.f32 v58, v58  }
0xf6: {  	v62 =	vsub.f32 v43, v16;
	v59 =	vmul.f32 v59, v59;
	v60 =	vmul.f32 v60, v60  }
0xf7: {  	v63 =	vmul.f32 v61, v61;
	v49 =	vadd.f32 v52, v49;
	v52 =	vadd.f32 v55, v53  }
0xf8: {  	v4 =	vadd.f32 v58, v56;
	v5 =	vadd.f32 v60, v59;
	v60 =	vmul.f32 v62, v62  }
0xf9: {  	vm6 =	vmand vm6, vm7;
	v46 =	vadd.f32 v49, v46;
	v61 =	vadd.f32 v52, v50  }
0xfa: {  	v42 =	vmul.f32 v42, v42;
	v62 =	vadd.f32 v4, v63;
	v63 =	vadd.f32 v5, v60  }
0xfb: {  	v44 =	vmul.f32 v44, v44;
	v46 =	vnsel vm3, $0x3F800000, v46;
	v49 =	vnsel vm6, $0x3F800000, v61  }
0xfc: {  	v50 =	vnsel vm4, $0x3F800000, v62;
	v52 =	vnsel vm5, $0x3F800000, v63;
	v4 =	vshrl.u32 v46, $0x1  }
0xfd: {  	v55 =	vmul.f32 $5.000000000e-01, v46;
	v5 =	vshrl.u32 v49, $0x1;
	v58 =	vmul.f32 $5.000000000e-01, v49  }
0xfe: {  	v60 =	vmul.f32 $5.000000000e-01, v50;
	v53 =	vsub.s32 $0x5F3759DF, v4;
	v4 =	vshrl.u32 v50, $0x1  }
0xff: {  	v56 =	vsub.s32 $0x5F3759DF, v5;
	v5 =	vshrl.u32 v52, $0x1;
	v55 =	vmul.f32 v53, v55  }
0x100: {  	v58 =	vmul.f32 v56, v58;
	v59 =	vsub.s32 $0x5F3759DF, v4;
	v4 =	vmul.f32 $5.000000000e-01, v52  }
0x101: {  	v61 =	vsub.s32 $0x5F3759DF, v5;
	v60 =	vmul.f32 v59, v60;
	v55 =	vmul.f32 v53, v55  }
0x102: {  	v47 =	vsub.f32 v47, v12;
	v58 =	vmul.f32 v56, v58;
	v62 =	vmul.f32 v61, v4  }
0x103: {  	v45 =	vmul.f32 v45, v45;
	v60 =	vmul.f32 v59, v60;
	v55 =	vsub.f32 $1.500000000e+00, v55  }
0x104: {  	v43 =	vsub.f32 v43, v13;
	v58 =	vsub.f32 $1.500000000e+00, v58;
	v62 =	vmul.f32 v61, v62  }
0x105: {  	v47 =	vmul.f32 v47, v47;
	v5 =	vsub.f32 $1.500000000e+00, v60;
	v53 =	vmul.f32 v53, v55  }
0x106: {  	v43 =	vmul.f32 v43, v43;
	v56 =	vmul.f32 v56, v58;
	v58 =	vsub.f32 $1.500000000e+00, v62  }
0x107: {  	vm8 =	vlt.s32 v30, v3;
	v55 =	vmul.f32 v59, v5;
	v4 =	vmul.f32 v53, v46  }
0x108: {  	vm15 =	vne.s32 v34, v9;
	v5 =	vmul.f32 v56, v49;
	v58 =	vmul.f32 v61, v58  }
0x109: {  	v48 =	vsub.f32 v48, v11;
	v61 =	vmul.f32 v55, v50;
	v60 =	vmul.f32 v0, v4  }
0x10a: {  	v51 =	vsub.f32 v51, v12;
	v4 =	vmul.f32 v0, v5;
	v5 =	vmul.f32 v58, v52  }
0x10b: {  	v63 =	vsub.f32 v40, v13;
	v40 =	vmul.f32 v0, v61;
	v60 =	vmul.f32 $4.704700110e-01, v60  }
0x10c: {  	v62 =	vsub.f32 v37, v13;
	v37 =	vmul.f32 $4.704700110e-01, v4;
	v4 =	vmul.f32 v0, v5  }
0x10d: {  	v59 =	vmul.f32 v1, v52;
	v40 =	vmul.f32 $4.704700110e-01, v40;
	v5 =	vadd.f32 $1.000000000e+00, v60  }
0x10e: {  	v61 =	vsub.f32 v41, v13;
	v37 =	vadd.f32 $1.000000000e+00, v37;
	v41 =	vmul.f32 $4.704700110e-01, v4  }
0x10f: {  	v49 =	vmul.f32 v1, v49;
	v40 =	vadd.f32 $1.000000000e+00, v40;
	(erf) = vrcp.f32 v5  }
0x110: {  	v61 =	vmul.f32 v61, v61;
	v41 =	vadd.f32 $1.000000000e+00, v41;
	(erf) = vrcp.f32 v37  }
0x111: {  	v54 =	vsub.f32 v54, v11;
	v60 =	vmul.f32 v48, v48;
	(erf) = vrcp.f32 v40  }
0x112: {  	v2 =	vld [tilespmem:$0x1FFD0];
	v57 =	vsub.f32 v57, v12;
	v4 =	vmul.f32 v51, v51;
	(erf) = vrcp.f32 v41  }
0x113: {  	vm14 =	vne.s32 v29, v9;
	v48 =	vmul.f32 v54, v54;
	v5 =	vmul.f32 v1, v46  }
0x114: {  	v42 =	vadd.f32 v44, v42;
	v51 =	vmul.f32 v57, v57;
	v46 =	vmul.f32 $1.442695020e+00, v49  }
0x115: {  	v44 =	vadd.f32 v47, v45;
	v57 =	vmul.f32 v1, v50;
	v54 =	vmul.f32 $1.442695020e+00, v5  }
0x116: {  	v47 =	vadd.f32 v4, v60;
	v60 =	vmul.f32 $1.442695020e+00, v59;
	v37 =	vbroadcast v35, $0x3  }
0x117: {  	vm10 =	vge.s32 v34, v2;
	v41 =	vmul.f32 $1.442695020e+00, v57;
	(erf) = vpow2.f32 v54  }
0x118: {  	vm7 =	vge.s32 v30, v2;
	v40 =	vbroadcast v35, $0x7;
	(erf) = vpow2.f32 v46;
	v46 =	vpop (erf)  }
0x119: {  	vm9 =	vge.s32 v33, v2;
	(erf) = vpow2.f32 v41;
	v49 =	vpop (erf);
	v4 =	vmul.f32 $7.478556030e-01, v46  }
0x11a: {  	v45 =	vadd.f32 v51, v48;
	v41 =	vbroadcast v35, $0xB;
	(erf) = vpow2.f32 v60;
	v50 =	vpop (erf)  }
0x11b: {  	v48 =	vmul.f32 $7.478556030e-01, v49;
	v51 =	vpop (erf);
	v5 =	vmul.f32 $7.478556030e-01, v50;
	v60 =	vadd.f32 $-9.587980060e-02, v4  }
0x11c: {  	vm12 =	vge.s32 v29, v2;
	v35 =	vbroadcast v35, $0xF;
	v4 =	vmul.f32 $7.478556030e-01, v51  }
0x11d: {  	v48 =	vadd.f32 $-9.587980060e-02, v48;
	v52 =	vadd.f32 $-9.587980060e-02, v5;
	v54 =	vmul.f32 v60, v46  }
0x11e: {  	v5 =	vnsel vm3, $0x0, v37;
	vm3 =	vlt.s32 v29, v3;
	v57 =	vadd.f32 $-9.587980060e-02, v4  }
0x11f: {  	v48 =	vmul.f32 v48, v49;
	v4 =	vnsel vm6, $0x0, v40;
	v53 =	vmul.f32 v53, v5  }
0x120: {  	vm6 =	vmand vm10, vm13;
	vm3 =	vmand vm12, vm3;
	vm12 =	vne.s32 v30, v9  }
0x121: {  	vm13 =	vne.s32 v33, v9;
	v30 =	vadd.f32 v45, v43;
	v52 =	vmul.f32 v52, v50  }
0x122: {  	v54 =	vadd.f32 $3.480241890e-01, v54;
	v56 =	vmul.f32 v56, v4;
	v4 =	vnsel vm4, $0x0, v41  }
0x123: {  	vm4 =	vmand vm7, vm8;
	v57 =	vmul.f32 v57, v51;
	v48 =	vadd.f32 $3.480241890e-01, v48  }
0x124: {  	vm7 =	vmand vm9, vm11;
	v52 =	vadd.f32 $3.480241890e-01, v52;
	v46 =	vmul.f32 v54, v46  }
0x125: {  	v5 =	vpop (erf);
	v57 =	vadd.f32 $3.480241890e-01, v57;
	v48 =	vmul.f32 v48, v49;
	v49 =	vmul.f32 v55, v4  }
0x126: {  	vm4 =	vmand vm12, vm4;
	v59 =	vpop (erf);
	v50 =	vmul.f32 v52, v50;
	v46 =	vmul.f32 v46, v5  }
0x127: {  	v51 =	vmul.f32 v57, v51;
	v48 =	vmul.f32 v48, v59;
	v57 =	vnsel vm5, $0x0, v35  }
0x128: {  	v60 =	vpop (erf);
	v59 =	vmul.f32 v62, v62;
	v62 =	vadd.f32 v47, v61;
	vm5 =	vmand vm15, vm6  }
0x129: {  	vm15 =	vmand vm14, vm3;
	vm3 =	vmand vm13, vm7;
	v50 =	vmul.f32 v50, v60  }
0x12a: {  	v5 =	vpop (erf);
	v46 =	vsub.f32 $1.000000000e+00, v46;
	v60 =	vmul.f32 v63, v63;
	v42 =	vadd.f32 v42, v59  }
0x12b: {  	v52 =	vmul.f32 v58, v57;
	v30 =	vnsel vm3, $0x3F800000, v30;
	v51 =	vmul.f32 v51, v5  }
0x12c: {  	v34 =	vnsel vm4, $0x3F800000, v62;
	v44 =	vadd.f32 v44, v60;
	v29 =	vnsel vm15, $0x3F800000, v42  }
0x12d: {  	v58 =	vshrl.u32 v30, $0x1;
	v42 =	vshrl.u32 v29, $0x1;
	v63 =	vmul.f32 $5.000000000e-01, v29  }
0x12e: {  	v59 =	vmul.f32 $5.000000000e-01, v30;
	v33 =	vnsel vm5, $0x3F800000, v44;
	v42 =	vsub.s32 $0x5F3759DF, v42  }
0x12f: {  	v44 =	vshrl.u32 v33, $0x1;
	v4 =	vmul.f32 $5.000000000e-01, v33;
	v43 =	vmul.f32 v42, v63  }
0x130: {  	v5 =	vshrl.u32 v34, $0x1;
	v57 =	vmul.f32 $5.000000000e-01, v34;
	v44 =	vsub.s32 $0x5F3759DF, v44  }
0x131: {  	v47 =	vsub.s32 $0x5F3759DF, v5;
	v45 =	vmul.f32 v44, v4;
	v43 =	vmul.f32 v42, v43  }
0x132: {  	v50 =	vsub.f32 $1.000000000e+00, v50;
	v46 =	vmul.f32 v46, v53;
	v53 =	vmul.f32 v47, v57  }
0x133: {  	v54 =	vsub.s32 $0x5F3759DF, v58;
	v45 =	vmul.f32 v44, v45;
	v43 =	vsub.f32 $1.500000000e+00, v43  }
0x134: {  	v51 =	vsub.f32 $1.000000000e+00, v51;
	v55 =	vmul.f32 v54, v59;
	v53 =	vmul.f32 v47, v53  }
0x135: {  	v49 =	vmul.f32 v50, v49;
	v45 =	vsub.f32 $1.500000000e+00, v45;
	v42 =	vmul.f32 v42, v43  }
0x136: {  	v62 =	vmul.f32 v1, v29;
	v60 =	vmul.f32 v54, v55;
	v61 =	vsub.f32 $1.500000000e+00, v53  }
0x137: {  	v44 =	vmul.f32 v44, v45;
	v29 =	vmul.f32 v42, v29  }
0x138: {  	v51 =	vmul.f32 v51, v52;
	v50 =	vsub.f32 $1.500000000e+00, v60;
	v63 =	vmul.f32 v47, v61  }
0x139: {  	v5 =	vmul.f32 v44, v33;
	v29 =	vmul.f32 v0, v29  }
0x13a: {  	v48 =	vsub.f32 $1.000000000e+00, v48;
	v4 =	vmul.f32 v54, v50;
	v52 =	vmul.f32 v63, v34  }
0x13b: {  	v39 =	vadd.f32 $3.480241890e-01, v39;
	v50 =	vmul.f32 v0, v5;
	v29 =	vmul.f32 $4.704700110e-01, v29  }
0x13c: {  	v27 =	vadd.f32 $3.480241890e-01, v27;
	v48 =	vmul.f32 v48, v56;
	v56 =	vmul.f32 v4, v30  }
0x13d: {  	v57 =	vmul.f32 v0, v52;
	v50 =	vmul.f32 $4.704700110e-01, v50;
	v29 =	vadd.f32 $1.000000000e+00, v29  }
0x13e: {  	v20 =	vmul.f32 v39, v20;
	v46 =	vadd.f32 v48, v46;
	v58 =	vmul.f32 v0, v56  }
0x13f: {  	v48 =	vmul.f32 $4.704700110e-01, v57;
	v50 =	vadd.f32 $1.000000000e+00, v50;
	(erf) = vrcp.f32 v29  }
0x140: {  	v21 =	vmul.f32 v27, v21;
	v49 =	vadd.f32 v51, v49;
	v51 =	vmul.f32 $4.704700110e-01, v58  }
0x141: {  	v22 =	vmul.f32 v28, v22;
	v48 =	vadd.f32 $1.000000000e+00, v48;
	(erf) = vrcp.f32 v50  }
0x142: {  	v23 =	vmul.f32 v19, v23;
	v20 =	vmul.f32 v20, v24;
	v29 =	vadd.f32 $1.000000000e+00, v51  }
0x143: {  	v24 =	vsub.f32 $1.000000000e+00, v22;
	v22 =	vmul.f32 v21, v25;
	(erf) = vrcp.f32 v48  }
0x144: {  	v33 =	vmul.f32 v1, v33;
	(erf) = vrcp.f32 v29  }
0x145: {  	v34 =	vmul.f32 v1, v34;
	v43 =	vmul.f32 $1.442695020e+00, v62  }
0x146: {  	v30 =	vmul.f32 v1, v30;
	v33 =	vmul.f32 $1.442695020e+00, v33  }
0x147: {  	v34 =	vmul.f32 $1.442695020e+00, v34;
	(erf) = vpow2.f32 v43  }
0x148: {  	v27 =	vnsel vm4, $0x0, v41;
	v29 =	vmul.f32 $1.442695020e+00, v30;
	(erf) = vpow2.f32 v33;
	v41 =	vpop (erf)  }
0x149: {  	v25 =	vsub.f32 $1.000000000e+00, v23;
	(erf) = vpow2.f32 v34;
	v21 =	vmul.f32 $7.478556030e-01, v41  }
0x14a: {  	v26 =	vnsel vm15, $0x0, v37;
	v30 =	vnsel vm5, $0x0, v40;
	(erf) = vpow2.f32 v29;
	v19 =	vpop (erf)  }
0x14b: {  	v28 =	vnsel vm3, $0x0, v35;
	v30 =	vmul.f32 v44, v30;
	v23 =	vmul.f32 $7.478556030e-01, v19  }
0x14c: {  	v43 =	vmul.f32 v4, v28;
	v29 =	vmul.f32 v42, v26;
	v26 =	vsub.f32 $1.000000000e+00, v20;
	v20 =	vpop (erf)  }
0x14d: {  	s19 =	sadd.s32 $0x4, s19;
	v42 =	vmul.f32 v63, v27;
	v59 =	vadd.f32 $-9.587980060e-02, v21;
	v23 =	vadd.f32 $-9.587980060e-02, v23;
	v21 =	vpop (erf)  }
0x14e: {  	p1 =	slt.s32 s19, s17;
	v28 =	vsub.f32 $1.000000000e+00, v22;
	v27 =	vmul.f32 $7.478556030e-01, v20;
	v60 =	vmul.f32 $7.478556030e-01, v21  }
.Ltmp6:
0x14f: {  	v46 =	vadd.f32 v49, v46;
	v33 =	vmul.f32 v24, v36;
	v34 =	vmul.f32 v25, v38;
	(pc) =	sbr.rel @!p1 .LBB2_6-.Ltmp6, $4  }
0x150: {  	v37 =	vmul.f32 v28, v31;
	v27 =	vadd.f32 $-9.587980060e-02, v27;
	v22 =	vpop (erf);
	v63 =	vadd.f32 $-9.587980060e-02, v60  }
0x151: {  	v17 =	vadd.f32 v46, v17;
	v61 =	vmul.f32 v59, v41;
	v62 =	vmul.f32 v23, v19;
	v23 =	vpop (erf)  }
0x152: {  	v28 =	vimm.f32 $0.0e+00;
	v39 =	vmul.f32 v27, v20;
	v24 =	vpop (erf);
	v27 =	vmul.f32 v63, v21  }
0x153: {  	p0 =	por $0x1, $0x1;
	v35 =	vmul.f32 v26, v32;
	v44 =	vadd.f32 $3.480241890e-01, v61;
	v26 =	vadd.f32 $3.480241890e-01, v62;
	v25 =	vpop (erf)  }
.LBB2_7:
0x154: {  	v2 =	vld [tilespmem:$0x1FFC0]  }
0x155: {  	v40 =	vmov s19;
	s18 =	sadd.s32 $0x10, s18;
	v36 =	vmul.f32 v44, v41  }
0x156: {  	s20 =	sadd.s32 $0x1, s19;
	s21 =	sadd.s32 $0x2, s19;
	s22 =	sadd.s32 $0x3, s19;
	v38 =	vadd.f32 $3.480241890e-01, v39;
	v31 =	vmovc v43;
	v43 =	vld [tilespmem:s18+$0x0];
	vm4 =	vlt.s32 v40, v8;
	vm7 =	vne.s32 v40, v10  }
0x157: {  	v32 =	vmovc v42;
	v42 =	vmov s20;
	v39 =	vmov s21;
	v41 =	vmov s22  }
0x158: {  	vm6 =	vne.s32 v42, v10;
	vm9 =	vlt.s32 v42, v8;
	vm5 =	vne.s32 v41, v10  }
0x159: {  	vm11 =	vlt.s32 v39, v8;
	vm13 =	vlt.s32 v41, v8;
	vm3 =	vge.s32 v40, v2  }
0x15a: {  	vm8 =	vge.s32 v42, v2;
	vm10 =	vge.s32 v39, v2;
	vm12 =	vge.s32 v41, v2  }
0x15b: {  	vm3 =	vmand vm3, vm4;
	v45 =	vbroadcast v43, $0x2;
	v46 =	vbroadcast v43, $0x6  }
0x15c: {  	vm4 =	vne.s32 v39, v10;
	v48 =	vbroadcast v43, $0xA;
	v47 =	vbroadcast v43, $0x0  }
0x15d: {  	vm14 =	vmand vm8, vm9;
	v44 =	vbroadcast v43, $0xE;
	v49 =	vbroadcast v43, $0x1  }
0x15e: {  	vm15 =	vmand vm10, vm11;
	v50 =	vbroadcast v43, $0x4;
	v52 =	vbroadcast v43, $0x5  }
0x15f: {  	vm13 =	vmand vm12, vm13;
	v53 =	vbroadcast v43, $0x8;
	v56 =	vbroadcast v43, $0x9  }
0x160: {  	v59 =	vbroadcast v43, $0xC;
	v51 =	vsub.f32 v45, v16;
	v54 =	vsub.f32 v47, v14  }
0x161: {  	v62 =	vbroadcast v43, $0xD;
	v55 =	vsub.f32 v46, v16;
	v57 =	vsub.f32 v49, v15  }
0x162: {  	vm3 =	vmand vm7, vm3;
	v58 =	vsub.f32 v50, v14;
	v60 =	vsub.f32 v52, v15  }
0x163: {  	vm6 =	vmand vm6, vm14;
	v61 =	vsub.f32 v53, v14;
	v63 =	vsub.f32 v56, v15  }
0x164: {  	vm4 =	vmand vm4, vm15;
	v18 =	vsub.f32 v59, v14;
	v2 =	vsub.f32 v62, v15  }
0x165: {  	v3 =	vsub.f32 v48, v16;
	v51 =	vmul.f32 v51, v51;
	v55 =	vmul.f32 v55, v55  }
0x166: {  	v4 =	vsub.f32 v44, v16;
	v54 =	vmul.f32 v54, v54;
	v57 =	vmul.f32 v57, v57  }
0x167: {  	v50 =	vsub.f32 v50, v11;
	v58 =	vmul.f32 v58, v58;
	v60 =	vmul.f32 v60, v60  }
0x168: {  	v53 =	vsub.f32 v53, v11;
	v61 =	vmul.f32 v61, v61;
	v63 =	vmul.f32 v63, v63  }
0x169: {  	v48 =	vsub.f32 v48, v13;
	v18 =	vmul.f32 v18, v18;
	v2 =	vmul.f32 v2, v2  }
0x16a: {  	v3 =	vmul.f32 v3, v3;
	v54 =	vadd.f32 v57, v54;
	v57 =	vadd.f32 v60, v58  }
0x16b: {  	v4 =	vmul.f32 v4, v4;
	v60 =	vadd.f32 v63, v61;
	v2 =	vadd.f32 v2, v18  }
0x16c: {  	vm5 =	vmand vm5, vm13;
	v18 =	vadd.f32 v54, v51;
	v61 =	vadd.f32 v57, v55  }
0x16d: {  	v50 =	vmul.f32 v50, v50;
	v3 =	vadd.f32 v60, v3;
	v2 =	vadd.f32 v2, v4  }
0x16e: {  	v53 =	vmul.f32 v53, v53;
	v4 =	vnsel vm3, $0x3F800000, v18;
	v18 =	vnsel vm6, $0x3F800000, v61  }
0x16f: {  	v3 =	vnsel vm4, $0x3F800000, v3;
	v2 =	vnsel vm5, $0x3F800000, v2;
	v63 =	vshrl.u32 v4, $0x1  }
0x170: {  	v54 =	vmul.f32 $5.000000000e-01, v4;
	v5 =	vshrl.u32 v18, $0x1;
	v57 =	vmul.f32 $5.000000000e-01, v18  }
0x171: {  	v58 =	vshrl.u32 v3, $0x1;
	v60 =	vmul.f32 $5.000000000e-01, v3;
	v51 =	vsub.s32 $0x5F3759DF, v63  }
0x172: {  	v55 =	vsub.s32 $0x5F3759DF, v5;
	v5 =	vshrl.u32 v2, $0x1;
	v54 =	vmul.f32 v51, v54  }
0x173: {  	v58 =	vsub.s32 $0x5F3759DF, v58;
	v63 =	vmul.f32 $5.000000000e-01, v2;
	v57 =	vmul.f32 v55, v57  }
0x174: {  	v60 =	vmul.f32 v58, v60;
	v61 =	vsub.s32 $0x5F3759DF, v5;
	v54 =	vmul.f32 v51, v54  }
0x175: {  	v6 =	vld [tilespmem:$0x1FFD0];
	v5 =	vsub.f32 v47, v11;
	v47 =	vmul.f32 v55, v57;
	v57 =	vmul.f32 v61, v63  }
0x176: {  	v7 =	vld [tilespmem:$0x1FFE0];
	v63 =	vsub.f32 v49, v12;
	v49 =	vsub.f32 $1.500000000e+00, v54;
	v54 =	vmul.f32 v58, v60  }
0x177: {  	v48 =	vmul.f32 v48, v48;
	v47 =	vsub.f32 $1.500000000e+00, v47;
	v57 =	vmul.f32 v61, v57  }
0x178: {  	v5 =	vmul.f32 v5, v5;
	v60 =	vmul.f32 v51, v49;
	v49 =	vsub.f32 $1.500000000e+00, v54  }
0x179: {  	v51 =	vsub.f32 v52, v12;
	v52 =	vmul.f32 v55, v47;
	v54 =	vsub.f32 $1.500000000e+00, v57  }
0x17a: {  	vm10 =	vge.s32 v42, v6;
	v55 =	vmul.f32 v60, v4;
	v47 =	vmul.f32 v58, v49  }
0x17b: {  	vm8 =	vlt.s32 v39, v7;
	v57 =	vmul.f32 v52, v18;
	v49 =	vmul.f32 v61, v54  }
0x17c: {  	vm9 =	vge.s32 v41, v6;
	v54 =	vmul.f32 v0, v55;
	v55 =	vmul.f32 v47, v3  }
0x17d: {  	vm12 =	vlt.s32 v41, v7;
	v57 =	vmul.f32 v0, v57;
	v61 =	vmul.f32 v49, v2  }
0x17e: {  	vm13 =	vlt.s32 v42, v7;
	v54 =	vmul.f32 $4.704700110e-01, v54;
	v55 =	vmul.f32 v0, v55  }
0x17f: {  	v58 =	vsub.f32 v59, v11;
	v57 =	vmul.f32 $4.704700110e-01, v57;
	v61 =	vmul.f32 v0, v61  }
0x180: {  	v59 =	vsub.f32 v62, v12;
	v54 =	vadd.f32 $1.000000000e+00, v54;
	v55 =	vmul.f32 $4.704700110e-01, v55  }
0x181: {  	v62 =	vmul.f32 v63, v63;
	v57 =	vadd.f32 $1.000000000e+00, v57;
	v61 =	vmul.f32 $4.704700110e-01, v61  }
0x182: {  	v51 =	vmul.f32 v51, v51;
	v55 =	vadd.f32 $1.000000000e+00, v55;
	(erf) = vrcp.f32 v54  }
0x183: {  	v4 =	vmul.f32 v1, v4;
	v63 =	vadd.f32 $1.000000000e+00, v61;
	(erf) = vrcp.f32 v57  }
0x184: {  	vm7 =	vge.s32 v39, v6;
	v18 =	vmul.f32 v1, v18;
	(erf) = vrcp.f32 v55  }
0x185: {  	v56 =	vsub.f32 v56, v12;
	v2 =	vmul.f32 v1, v2;
	(erf) = vrcp.f32 v63  }
0x186: {  	v5 =	vadd.f32 v62, v5;
	v62 =	vmul.f32 v59, v59;
	v3 =	vmul.f32 v1, v3  }
0x187: {  	vm14 =	vge.s32 v40, v6;
	v2 =	vmul.f32 $1.442695020e+00, v2;
	v61 =	vmul.f32 v56, v56  }
0x188: {  	v54 =	vadd.f32 v51, v50;
	v50 =	vmul.f32 v58, v58;
	v63 =	vmul.f32 $1.442695020e+00, v4  }
0x189: {  	v51 =	vbroadcast v43, $0xB;
	v53 =	vadd.f32 v61, v53;
	v61 =	vmul.f32 $1.442695020e+00, v18  }
0x18a: {  	v55 =	vadd.f32 v62, v50;
	v62 =	vmul.f32 $1.442695020e+00, v3;
	(erf) = vpow2.f32 v63  }
0x18b: {  	v57 =	vsub.f32 v44, v13;
	v44 =	vbroadcast v43, $0x3;
	v4 =	vpop (erf);
	(erf) = vpow2.f32 v61  }
0x18c: {  	vm15 =	vlt.s32 v40, v7;
	v50 =	vbroadcast v43, $0x7;
	v18 =	vpop (erf);
	(erf) = vpow2.f32 v62  }
0x18d: {  	v45 =	vsub.f32 v45, v13;
	v43 =	vbroadcast v43, $0xF;
	v3 =	vpop (erf);
	(erf) = vpow2.f32 v2  }
0x18e: {  	v46 =	vsub.f32 v46, v13;
	v2 =	vmul.f32 $7.478556030e-01, v4;
	v63 =	vmul.f32 $7.478556030e-01, v18;
	v56 =	vpop (erf)  }
0x18f: {  	v62 =	vnsel vm3, $0x0, v44;
	v58 =	vmul.f32 $7.478556030e-01, v3;
	v59 =	vmul.f32 $7.478556030e-01, v56  }
0x190: {  	vm3 =	vmand vm10, vm13;
	v2 =	vadd.f32 $-9.587980060e-02, v2;
	v61 =	vadd.f32 $-9.587980060e-02, v63  }
0x191: {  	v60 =	vmul.f32 v60, v62;
	v58 =	vadd.f32 $-9.587980060e-02, v58;
	v59 =	vadd.f32 $-9.587980060e-02, v59  }
0x192: {  	vm13 =	vne.s32 v39, v9;
	v2 =	vmul.f32 v2, v4;
	v61 =	vmul.f32 v61, v18  }
0x193: {  	v63 =	vnsel vm6, $0x0, v50;
	v58 =	vmul.f32 v58, v3;
	v59 =	vmul.f32 v59, v56  }
0x194: {  	vm6 =	vmand vm14, vm15;
	v2 =	vadd.f32 $3.480241890e-01, v2;
	v61 =	vadd.f32 $3.480241890e-01, v61  }
0x195: {  	v52 =	vmul.f32 v52, v63;
	v58 =	vadd.f32 $3.480241890e-01, v58;
	v59 =	vadd.f32 $3.480241890e-01, v59  }
0x196: {  	vm14 =	vne.s32 v41, v9;
	v6 =	vpop (erf);
	v2 =	vmul.f32 v2, v4;
	v61 =	vmul.f32 v61, v18  }
0x197: {  	vm15 =	vne.s32 v40, v9;
	v62 =	vpop (erf);
	v3 =	vmul.f32 v58, v3;
	v56 =	vmul.f32 v59, v56  }
0x198: {  	vm6 =	vmand vm15, vm6;
	v63 =	vpop (erf);
	v2 =	vmul.f32 v2, v6;
	v4 =	vmul.f32 v61, v62  }
0x199: {  	v18 =	vpop (erf);
	v6 =	vnsel vm4, $0x0, v51;
	v61 =	vnsel vm5, $0x0, v43;
	v3 =	vmul.f32 v3, v63  }
0x19a: {  	vm4 =	vmand vm7, vm8;
	v6 =	vmul.f32 v47, v6;
	v18 =	vmul.f32 v56, v18  }
0x19b: {  	v62 =	vmul.f32 v49, v61;
	v2 =	vsub.f32 $1.000000000e+00, v2;
	v4 =	vsub.f32 $1.000000000e+00, v4  }
0x19c: {  	v63 =	vmul.f32 v46, v46;
	v3 =	vsub.f32 $1.000000000e+00, v3;
	v18 =	vsub.f32 $1.000000000e+00, v18  }
0x19d: {  	vm7 =	vmand vm9, vm12;
	v2 =	vmul.f32 v2, v60;
	v4 =	vmul.f32 v4, v52  }
0x19e: {  	vm12 =	vne.s32 v42, v9;
	v3 =	vmul.f32 v3, v6;
	v6 =	vmul.f32 v18, v62  }
0x19f: {  	vm5 =	vmand vm12, vm3;
	v52 =	vadd.f32 v54, v63;
	v18 =	vmul.f32 v45, v45  }
0x1a0: {  	vm4 =	vmand vm13, vm4;
	v2 =	vadd.f32 v4, v2;
	v3 =	vadd.f32 v6, v3  }
0x1a1: {  	v49 =	vadd.f32 v5, v18;
	v6 =	vmul.f32 v57, v57;
	v18 =	vadd.f32 v53, v48  }
0x1a2: {  	vm3 =	vmand vm14, vm7;
	v54 =	vnsel vm5, $0x3F800000, v52;
	v2 =	vadd.f32 v3, v2  }
0x1a3: {  	v56 =	vmul.f32 $5.000000000e-01, v54;
	v3 =	vadd.f32 v55, v6;
	v5 =	vnsel vm4, $0x3F800000, v18  }
0x1a4: {  	v55 =	vshrl.u32 v54, $0x1;
	v17 =	vadd.f32 v2, v17;
	v2 =	vnsel vm6, $0x3F800000, v49  }
0x1a5: {  	v57 =	vshrl.u32 v5, $0x1;
	v6 =	vshrl.u32 v2, $0x1;
	v18 =	vmul.f32 $5.000000000e-01, v2  }
0x1a6: {  	v58 =	vmul.f32 $5.000000000e-01, v5;
	v39 =	vsub.s32 $0x5F3759DF, v55;
	v6 =	vsub.s32 $0x5F3759DF, v6  }
0x1a7: {  	v3 =	vnsel vm3, $0x3F800000, v3;
	v41 =	vsub.s32 $0x5F3759DF, v57;
	v18 =	vmul.f32 v6, v18  }
0x1a8: {  	v40 =	vmul.f32 v39, v56;
	v59 =	vshrl.u32 v3, $0x1;
	v60 =	vmul.f32 $5.000000000e-01, v3  }
0x1a9: {  	v42 =	vmul.f32 v41, v58;
	v45 =	vsub.s32 $0x5F3759DF, v59;
	v18 =	vmul.f32 v6, v18  }
0x1aa: {  	v40 =	vmul.f32 v39, v40;
	v46 =	vmul.f32 v45, v60  }
0x1ab: {  	v62 =	vmul.f32 v1, v54;
	v42 =	vmul.f32 v41, v42;
	v18 =	vsub.f32 $1.500000000e+00, v18  }
0x1ac: {  	v61 =	vmul.f32 v1, v2;
	v40 =	vsub.f32 $1.500000000e+00, v40;
	v46 =	vmul.f32 v45, v46  }
0x1ad: {  	v59 =	vmul.f32 v26, v19;
	v42 =	vsub.f32 $1.500000000e+00, v42;
	v6 =	vmul.f32 v6, v18  }
0x1ae: {  	v57 =	vmul.f32 $1.442695020e+00, v61;
	v46 =	vsub.f32 $1.500000000e+00, v46;
	v18 =	vmul.f32 v39, v40  }
0x1af: {  	v47 =	vnsel vm5, $0x0, v50;
	v50 =	vmul.f32 v41, v42;
	v2 =	vmul.f32 v6, v2  }
0x1b0: {  	v45 =	vmul.f32 v45, v46;
	v4 =	vmul.f32 v18, v54  }
0x1b1: {  	v63 =	vnsel vm4, $0x0, v51;
	v51 =	vmul.f32 v50, v5;
	v2 =	vmul.f32 v0, v2  }
0x1b2: {  	v27 =	vadd.f32 $3.480241890e-01, v27;
	v52 =	vmul.f32 v45, v3;
	v4 =	vmul.f32 v0, v4  }
0x1b3: {  	v33 =	vadd.f32 v34, v33;
	v34 =	vmul.f32 v0, v51;
	v2 =	vmul.f32 $4.704700110e-01, v2  }
0x1b4: {  	v53 =	vmul.f32 v0, v52;
	v4 =	vmul.f32 $4.704700110e-01, v4  }
0x1b5: {  	v60 =	vmul.f32 v27, v21;
	v34 =	vmul.f32 $4.704700110e-01, v34;
	v2 =	vadd.f32 $1.000000000e+00, v2  }
0x1b6: {  	v5 =	vmul.f32 v1, v5;
	v54 =	vmul.f32 $4.704700110e-01, v53;
	v4 =	vadd.f32 $1.000000000e+00, v4  }
0x1b7: {  	v42 =	vmul.f32 v50, v63;
	v55 =	vadd.f32 $1.000000000e+00, v34;
	(erf) = vrcp.f32 v2  }
0x1b8: {  	v3 =	vmul.f32 v1, v3;
	v56 =	vadd.f32 $1.000000000e+00, v54;
	(erf) = vrcp.f32 v4  }
0x1b9: {  	v58 =	vmul.f32 $1.442695020e+00, v5;
	(erf) = vrcp.f32 v55  }
0x1ba: {  	v44 =	vnsel vm6, $0x0, v44;
	v5 =	vmul.f32 v59, v23;
	(erf) = vrcp.f32 v56  }
0x1bb: {  	v6 =	vmul.f32 v6, v44;
	v2 =	vmul.f32 $1.442695020e+00, v62  }
0x1bc: {  	v35 =	vadd.f32 v37, v35;
	v18 =	vmul.f32 v18, v47;
	(erf) = vpow2.f32 v57  }
0x1bd: {  	v43 =	vnsel vm3, $0x0, v43;
	v3 =	vmul.f32 $1.442695020e+00, v3;
	(erf) = vpow2.f32 v2  }
0x1be: {  	v5 =	vsub.f32 $1.000000000e+00, v5;
	v4 =	vmul.f32 v60, v25;
	(erf) = vpow2.f32 v58  }
0x1bf: {  	v33 =	vadd.f32 v35, v33;
	v43 =	vmul.f32 v45, v43;
	(erf) = vpow2.f32 v3  }
0x1c0: {  	v34 =	vmul.f32 v5, v30;
	v4 =	vsub.f32 $1.000000000e+00, v4;
	v2 =	vmul.f32 v38, v20;
	v41 =	vpop (erf)  }
0x1c1: {  	v3 =	vmul.f32 v36, v22;
	v7 =	vmul.f32 $7.478556030e-01, v41;
	v19 =	vpop (erf)  }
0x1c2: {  	s19 =	sadd.s32 $0x4, s19;
	v28 =	vadd.f32 v33, v28;
	v37 =	vmul.f32 v4, v31;
	v27 =	vmul.f32 $7.478556030e-01, v19;
	v20 =	vpop (erf)  }
0x1c3: {  	p1 =	slt.s32 s19, s17;
	v2 =	vmul.f32 v2, v24;
	v3 =	vsub.f32 $1.000000000e+00, v3;
	v7 =	vadd.f32 $-9.587980060e-02, v7;
	v21 =	vpop (erf)  }
.Ltmp7:
0x1c4: {  	v30 =	vmovc v18;
	v61 =	vmul.f32 $7.478556030e-01, v20;
	v62 =	vadd.f32 $-9.587980060e-02, v27;
	v26 =	vmul.f32 $7.478556030e-01, v21;
	(pc) =	sbr.rel @p1 .LBB2_7-.Ltmp7, $4  }
0x1c5: {  	v2 =	vsub.f32 $1.000000000e+00, v2;
	v33 =	vmul.f32 v3, v29;
	v22 =	vpop (erf);
	v27 =	vmul.f32 v7, v41  }
0x1c6: {  	v63 =	vadd.f32 $-9.587980060e-02, v61;
	v23 =	vpop (erf);
	v3 =	vmul.f32 v62, v19;
	v7 =	vadd.f32 $-9.587980060e-02, v26  }
0x1c7: {  	v35 =	vmul.f32 v2, v32;
	v29 =	vmov v6;
	v24 =	vpop (erf);
	v44 =	vadd.f32 $3.480241890e-01, v27  }
0x1c8: {  	v39 =	vmul.f32 v63, v20;
	v25 =	vpop (erf);
	v26 =	vadd.f32 $3.480241890e-01, v3;
	v27 =	vmul.f32 v7, v21  }
.Ltmp8:
0x1c9: {  	(pc) =	sbr.rel .LBB2_9-.Ltmp8, $4  }
0x1ca: {  	_ = 	snop  }
0x1cb: {  	v47 =	vld [tilespmem:$0x1FFF0]  }
0x1cc: {  	v48 =	vld [tilespmem:$0x1FFB0]  }
0x1cd: {  	v32 =	vmovc v42;
	v31 =	vmovc v43;
	v36 =	vmov v29;
	v38 =	vmov v30;
	v49 =	vld [tilespmem:$0x1FFA0];
	v18 =	vimm.f32 $0.0e+00  }
.LBB2_6:
.Ltmp9:
0x1ce: {  	(pc) =	sbr.rel .LBB2_9-.Ltmp9, $4  }
0x1cf: {  	_ = 	snop  }
0x1d0: {  	v47 =	vld [tilespmem:$0x1FFF0]  }
0x1d1: {  	v32 =	vmov v42;
	v48 =	vld [tilespmem:$0x1FFB0]  }
0x1d2: {  	v31 =	vmovc v43;
	v28 =	vimm.f32 $0.0e+00;
	v36 =	vmovc v29;
	v38 =	vmov v30;
	v49 =	vld [tilespmem:$0x1FFA0];
	v18 =	vimm.f32 $0.0e+00  }
.LBB2_12:
0x1d3: {  	_ =	sfence.sel $0x180000  }
0x1d4: {  	[bflag:$0x0] =	sbarrier.arrive $0xFFFF  }
0x1d5: {  	p0 =	sne.s32 s3, $0x0;
	_ =	strace $0x90000047  }
0x1d6: {  	s0 =	sadd.s32 @!p0 $0x100000, s1;
	[bflag:$0x2] =	sbarrier.arrive $0xFFFF  }
0x1d7: {  	[sflag:s0] =	ssyncadd.tile.s32 @!p0 $0x1;
	_ =	shalt  }
.Lfunc_end2:
_tile_overlayer_lowered:
.L_overlay_start_2:
0x1d8: {  	(tag) =	ssettag $0x2  }
0x1d9: {  	s0 =	rddreg [dreg:$0x0];
	s2 =	stileid.u32  }
0x1da: {  	s1 =	rddreg [dreg:$0x1];
	p0 =	sne.s32 s2, $0x0  }
0x1db: {  	s3 =	rddreg [dreg:$0x2];
	[bflag:$0x3] =	sbarrier.arrive $0xFFFF;
	s2 =	simm.s32 @!p0 $0x1C01  }
0x1dc: {  	[timem:s3], [sflag:s2] =	dma.local @!p0 [hbm:s0], s1  }
0x1dd: {  	s0 =	simm.s32 @!p0 $0x1  }
0x1de: {  	_ =	swait.ge @!p0 [sflag:s0], s1  }
0x1df: {  	s1 =	ssub.s32 @!p0 $0x0, s1;
	[sflag:s0] =	ssyncset.done @!p0 $0x0  }
0x1e0: {  	[sflag:s0] =	ssyncadd.s32 @!p0 s1  }
0x1e1: {  	[bflag:$0x3] =	sbarrier.arrive $0xFFFF  }
0x1e2: {  	_ =	shalt  }

</sc_bundles>
